<compile_context>
chip_gen: v7x
topology: tpu7x:2x2x1
jax: 0.10.2.dev20260603
libtpu: 0.0.44.dev20260713+nightly
codegen_flags: <defaults>
</compile_context>

<pallas_src>
import functools

import jax
import jax.numpy as jnp
from jax import lax
from jax.experimental import pallas as pl
from jax.experimental.pallas import tpu as pltpu
from jax.experimental.pallas import tpu_sc as plsc

_G = 4


def _broadcast_kernel(lv_ref, out_ref):
    out_ref[...] = jnp.broadcast_to(lv_ref[...], out_ref.shape)


def _make_sc_gather(B, L, D):
    info = plsc.get_sparse_core_info()
    NC, NS, LN = info.num_cores, info.num_subcores, info.num_lanes
    NW = NC * NS
    bw = B // NW
    nchunk = L // LN
    mesh = plsc.VectorSubcoreMesh(core_axis_name="c", subcore_axis_name="s")

    @functools.partial(
        pl.kernel,
        mesh=mesh,
        out_type=jax.ShapeDtypeStruct((B, D), jnp.float32),
        scratch_types=[
            pltpu.VMEM((bw, L), jnp.int32),
            pltpu.VMEM((bw, LN), jnp.int32),
            pltpu.VMEM((LN,), jnp.int32),
            pltpu.VMEM((LN, D), jnp.float32),
            pltpu.SemaphoreType.DMA,
        ],
    )
    def sc_gather(mask_hbm, vflat_hbm, out_hbm, mask_v, acc_v, idx_v, rows_v, sem):
        wid = lax.axis_index("s") * NC + lax.axis_index("c")
        base = wid * bw
        pltpu.sync_copy(mask_hbm.at[pl.ds(base, bw)], mask_v)

        lanes = lax.iota(jnp.int32, LN)
        for r in range(bw):
            def scan_chunk(c, acc):
                m = mask_v[r, pl.ds(c * LN, LN)]
                pos = c * LN + lanes
                return jnp.maximum(acc, jnp.where(m == 0, pos, -1))

            acc_v[r, :] = lax.fori_loop(
                0, nchunk, scan_chunk, jnp.full((LN,), -1, jnp.int32)
            )

        idxvec = jnp.zeros((LN,), jnp.int32)
        for r in range(bw):
            av = acc_v[r, :]
            h = av[0]
            for i in range(1, LN):
                h = jnp.maximum(h, av[i])
            gidx = (base + r) * L + jnp.maximum(h, 0)
            idxvec = jnp.where(lanes == r, gidx, idxvec)
        idx_v[...] = idxvec

        pltpu.async_copy(vflat_hbm.at[idx_v], rows_v, sem).wait()
        pltpu.sync_copy(rows_v.at[pl.ds(0, bw)], out_hbm.at[pl.ds(base, bw)])

    return sc_gather


def kernel(input_values, input_timestamps, is_target_mask, dummy):
    B, L, D = input_values.shape
    mask_i32 = is_target_mask.astype(jnp.int32)
    vflat = input_values.reshape(B * L, D)

    last_values = _make_sc_gather(B, L, D)(mask_i32, vflat)

    out = pl.pallas_call(
        _broadcast_kernel,
        grid=(B // _G,),
        in_specs=[pl.BlockSpec((_G, 1, D), lambda i: (i, 0, 0))],
        out_specs=pl.BlockSpec((_G, L, D), lambda i: (i, 0, 0)),
        out_shape=jax.ShapeDtypeStruct((B, L, D), jnp.float32),
    )(last_values.reshape(B, 1, D))
    return out

# --- scband reference (transcript-rebuilt; emitter-appended) ---
"""Pipeline reference for scband-persistence-model-45638322487788 (READ-ONLY COPY).

The authoritative reference and input builder live on the scoring server;
editing this copy changes nothing except your own understanding.
"""

import jax, jax.numpy as jnp
import numpy as np


def setup_inputs(seed: int = 0) -> dict:
    key = jax.random.key(seed)
    k1, k2 = jax.random.split(key)
    B, L, D = 256, 2048, 128
    input_values = jax.random.normal(k1, (B, L, D), dtype=jnp.float32)
    input_timestamps = jax.random.uniform(k2, (B, L), dtype=jnp.float32)
    is_target_mask = jnp.ones((B, L), dtype=bool)
    dummy = jnp.zeros((1,), dtype=jnp.float32)  # module's _dummy parameter
    return {
        "input_values": input_values,
        "input_timestamps": input_timestamps,
        "is_target_mask": is_target_mask,
        "dummy": dummy,
    }


def reference(input_values, input_timestamps, is_target_mask, dummy):
    output_dim = 128
    B, L, D = input_values.shape
    target_counts = is_target_mask.sum(axis=1)
    num_targets = is_target_mask.shape[1]
    # padding_mask is None in this configuration
    hist_mask = jnp.logical_not(is_target_mask)
    idx = jnp.argmax(jnp.cumsum(hist_mask.astype(jnp.int64), axis=1), axis=1)
    last_values = input_values[jnp.arange(B), idx, :]
    preds = jnp.broadcast_to(last_values[:, :output_dim][:, None, :], (B, num_targets, output_dim))
    preds = preds + dummy * 0.0
    if preds.shape[1] == 1:
        preds = jnp.squeeze(preds, axis=1)
    return preds

if __name__ == "__main__":
    import jax
    _d = setup_inputs()
    print(jax.jit(kernel)(*tuple(_d.values())))

</pallas_src>

<mosaic_0001>
#map = affine_map<(d0, d1) -> (0, 0)>
module attributes {stable_mosaic.version = 14 : i64} {
  func.func @sc_gather(%arg0: i32, %arg1: i32, %arg2: memref<256x2048xi32, #tpu.memory_space<hbm>>, %arg3: memref<524288x128xf32, #tpu.memory_space<hbm>>, %arg4: memref<256x128xf32, #tpu.memory_space<hbm>>, %arg5: memref<8x2048xi32, #tpu.memory_space<vmem>>, %arg6: memref<8x16xi32, #tpu.memory_space<vmem>>, %arg7: memref<16xi32, #tpu.memory_space<vmem>>, %arg8: memref<16x128xf32, #tpu.memory_space<vmem>>, %arg9: memref<!tpu.dma_semaphore, #tpu.memory_space<semaphore_mem>>) attributes {dimension_semantics = [#tpu.dimension_semantics<core_parallel>, #tpu.dimension_semantics<subcore_parallel>], iteration_bounds = array<i64: 2, 16>, scalar_prefetch = 0 : i64, scratch_operands = 5 : i64, tpu.core_type = #tpu.core_type<sc_vector_subcore>, window_params = [{transform_indices = #map}, {transform_indices = #map}, {transform_indices = #map}]} {
    %mul3A = arith.constant 2 : i32
    %mul3A_0 = arith.muli %arg1, %mul3A : i32
    %add3A = arith.addi %mul3A_0, %arg0 : i32
    %mul3A_1 = arith.constant 8 : i32
    %mul3A_2 = arith.muli %add3A, %mul3A_1 : i32
    "tpu.region"() ({
      %run_scoped3A = tpu.sem_alloc : memref<!tpu.dma_semaphore, #tpu.memory_space<semaphore_mem>>
      %dma_start3A_628 = arith.constant 0 : i32
      %dma_start3A_629 = tpu.memref_slice %arg2[%mul3A_2, %dma_start3A_628] : memref<256x2048xi32, #tpu.memory_space<hbm>> -> memref<8x2048xi32, #tpu.memory_space<hbm>>
      %dma_start3A_630 = arith.constant 0 : i32
      %dma_start3A_631 = tpu.memref_slice %arg2[%mul3A_2, %dma_start3A_630] : memref<256x2048xi32, #tpu.memory_space<hbm>> -> memref<8x2048xi32, #tpu.memory_space<hbm>>
      tpu.enqueue_dma source(%dma_start3A_631 : memref<8x2048xi32, #tpu.memory_space<hbm>>) target(%arg5 : memref<8x2048xi32, #tpu.memory_space<vmem>>) target_semaphore(%run_scoped3A : memref<!tpu.dma_semaphore, #tpu.memory_space<semaphore_mem>>)
      %dma_wait3A_632 = arith.constant 0 : i32
      %dma_wait3A_633 = tpu.memref_slice %arg2[%mul3A_2, %dma_wait3A_632] : memref<256x2048xi32, #tpu.memory_space<hbm>> -> memref<8x2048xi32, #tpu.memory_space<hbm>>
      %dma_wait3A_634 = arith.constant 0 : i32
      %dma_wait3A_635 = tpu.memref_slice %arg2[%mul3A_2, %dma_wait3A_634] : memref<256x2048xi32, #tpu.memory_space<hbm>> -> memref<8x2048xi32, #tpu.memory_space<hbm>>
      tpu.wait_dma2 semaphore(%run_scoped3A : memref<!tpu.dma_semaphore, #tpu.memory_space<semaphore_mem>>) src(%dma_wait3A_635 : memref<8x2048xi32, #tpu.memory_space<hbm>>) dst(%arg5 : memref<8x2048xi32, #tpu.memory_space<vmem>>)
      tpu.yield
    }) : () -> ()
    %iota3A = tpu.iota {dimensions = array<i32: 0>} : vector<16xi32>
    %broadcast_in_dim3A = arith.constant -1 : i32
    %broadcast_in_dim3A_3 = vector.broadcast %broadcast_in_dim3A : i32 to vector<16xi32>
    %scan3A = arith.constant 0 : i32
    %scan3A_4 = arith.constant 128 : i32
    %scan3A_5 = arith.addi %scan3A, %scan3A_4 : i32
    %scan3A_6 = arith.constant 1 : i32
    %scan3A_7 = scf.for %scan3A_628 = %scan3A to %scan3A_5 step %scan3A_6 iter_args(%scan3A_629 = %broadcast_in_dim3A_3) -> (vector<16xi32>)  : i32 {
      %mul3A_630 = arith.constant 16 : i32
      %mul3A_631 = arith.muli %scan3A_628, %mul3A_630 : i32
      %get3A_632 = arith.constant 0 : i32
      %get3A_633 = arith.index_cast %get3A_632 : i32 to index
      %get3A_634 = arith.index_cast %mul3A_631 : i32 to index
      %get3A_635 = tpu.vector_load %arg5[%get3A_633, %get3A_634] {strides = array<i32>} : memref<8x2048xi32, #tpu.memory_space<vmem>>, vector<1x16xi32>,
      %get3A_636 = vector.shape_cast %get3A_635 : vector<1x16xi32> to vector<16xi32>
      %mul3A_637 = arith.constant 16 : i32
      %mul3A_638 = arith.muli %scan3A_628, %mul3A_637 : i32
      %add3A_639 = vector.broadcast %mul3A_638 : i32 to vector<16xi32>
      %add3A_640 = arith.addi %add3A_639, %iota3A : vector<16xi32>
      %eq3A_641 = arith.constant 0 : i32
      %eq3A_642 = vector.broadcast %eq3A_641 : i32 to vector<16xi32>
      %eq3A_643 = arith.cmpi eq, %get3A_636, %eq3A_642 : vector<16xi32>
      %jit3A = arith.constant -1 : i32
      %broadcast_in_dim3A_644 = vector.broadcast %jit3A : i32 to vector<16xi32>
      %select_n3A_645 = arith.select %eq3A_643, %add3A_640, %broadcast_in_dim3A_644 : vector<16xi1>, vector<16xi32>
      %max3A_646 = arith.maxsi %scan3A_629, %select_n3A_645 : vector<16xi32>
      scf.yield %max3A_646 : vector<16xi32>
    }
    %scan3A_8 = arith.constant 128 : i32
    %swap3A = arith.constant 0 : i32
    %swap3A_9 = arith.index_cast %swap3A : i32 to index
    %swap3A_10 = arith.constant 0 : index
    %swap3A_11 = tpu.vector_load %arg6[%swap3A_9, %swap3A_10] {strides = array<i32>} : memref<8x16xi32, #tpu.memory_space<vmem>>, vector<1x16xi32>,
    %swap3A_12 = vector.shape_cast %swap3A_11 : vector<1x16xi32> to vector<16xi32>
    %swap3A_13 = vector.shape_cast %scan3A_7 : vector<16xi32> to vector<1x16xi32>
    tpu.vector_store %arg6[%swap3A_9, %swap3A_10], %swap3A_13 {strides = array<i32>} : memref<8x16xi32, #tpu.memory_space<vmem>>, vector<1x16xi32>,
    %broadcast_in_dim3A_14 = arith.constant -1 : i32
    %broadcast_in_dim3A_15 = vector.broadcast %broadcast_in_dim3A_14 : i32 to vector<16xi32>
    %scan3A_16 = arith.constant 0 : i32
    %scan3A_17 = arith.constant 128 : i32
    %scan3A_18 = arith.addi %scan3A_16, %scan3A_17 : i32
    %scan3A_19 = arith.constant 1 : i32
    %scan3A_20 = scf.for %scan3A_628 = %scan3A_16 to %scan3A_18 step %scan3A_19 iter_args(%scan3A_629 = %broadcast_in_dim3A_15) -> (vector<16xi32>)  : i32 {
      %mul3A_630 = arith.constant 16 : i32
      %mul3A_631 = arith.muli %scan3A_628, %mul3A_630 : i32
      %get3A_632 = arith.constant 1 : i32
      %get3A_633 = arith.index_cast %get3A_632 : i32 to index
      %get3A_634 = arith.index_cast %mul3A_631 : i32 to index
      %get3A_635 = tpu.vector_load %arg5[%get3A_633, %get3A_634] {strides = array<i32>} : memref<8x2048xi32, #tpu.memory_space<vmem>>, vector<1x16xi32>,
      %get3A_636 = vector.shape_cast %get3A_635 : vector<1x16xi32> to vector<16xi32>
      %mul3A_637 = arith.constant 16 : i32
      %mul3A_638 = arith.muli %scan3A_628, %mul3A_637 : i32
      %add3A_639 = vector.broadcast %mul3A_638 : i32 to vector<16xi32>
      %add3A_640 = arith.addi %add3A_639, %iota3A : vector<16xi32>
      %eq3A_641 = arith.constant 0 : i32
      %eq3A_642 = vector.broadcast %eq3A_641 : i32 to vector<16xi32>
      %eq3A_643 = arith.cmpi eq, %get3A_636, %eq3A_642 : vector<16xi32>
      %jit3A = arith.constant -1 : i32
      %broadcast_in_dim3A_644 = vector.broadcast %jit3A : i32 to vector<16xi32>
      %select_n3A_645 = arith.select %eq3A_643, %add3A_640, %broadcast_in_dim3A_644 : vector<16xi1>, vector<16xi32>
      %max3A_646 = arith.maxsi %scan3A_629, %select_n3A_645 : vector<16xi32>
      scf.yield %max3A_646 : vector<16xi32>
    }
    %scan3A_21 = arith.constant 128 : i32
    %swap3A_22 = arith.constant 1 : i32
    %swap3A_23 = arith.index_cast %swap3A_22 : i32 to index
    %swap3A_24 = arith.constant 0 : index
    %swap3A_25 = tpu.vector_load %arg6[%swap3A_23, %swap3A_24] {strides = array<i32>} : memref<8x16xi32, #tpu.memory_space<vmem>>, vector<1x16xi32>,
    %swap3A_26 = vector.shape_cast %swap3A_25 : vector<1x16xi32> to vector<16xi32>
    %swap3A_27 = vector.shape_cast %scan3A_20 : vector<16xi32> to vector<1x16xi32>
    tpu.vector_store %arg6[%swap3A_23, %swap3A_24], %swap3A_27 {strides = array<i32>} : memref<8x16xi32, #tpu.memory_space<vmem>>, vector<1x16xi32>,
    %broadcast_in_dim3A_28 = arith.constant -1 : i32
    %broadcast_in_dim3A_29 = vector.broadcast %broadcast_in_dim3A_28 : i32 to vector<16xi32>
    %scan3A_30 = arith.constant 0 : i32
    %scan3A_31 = arith.constant 128 : i32
    %scan3A_32 = arith.addi %scan3A_30, %scan3A_31 : i32
    %scan3A_33 = arith.constant 1 : i32
    %scan3A_34 = scf.for %scan3A_628 = %scan3A_30 to %scan3A_32 step %scan3A_33 iter_args(%scan3A_629 = %broadcast_in_dim3A_29) -> (vector<16xi32>)  : i32 {
      %mul3A_630 = arith.constant 16 : i32
      %mul3A_631 = arith.muli %scan3A_628, %mul3A_630 : i32
      %get3A_632 = arith.constant 2 : i32
      %get3A_633 = arith.index_cast %get3A_632 : i32 to index
      %get3A_634 = arith.index_cast %mul3A_631 : i32 to index
      %get3A_635 = tpu.vector_load %arg5[%get3A_633, %get3A_634] {strides = array<i32>} : memref<8x2048xi32, #tpu.memory_space<vmem>>, vector<1x16xi32>,
      %get3A_636 = vector.shape_cast %get3A_635 : vector<1x16xi32> to vector<16xi32>
      %mul3A_637 = arith.constant 16 : i32
      %mul3A_638 = arith.muli %scan3A_628, %mul3A_637 : i32
      %add3A_639 = vector.broadcast %mul3A_638 : i32 to vector<16xi32>
      %add3A_640 = arith.addi %add3A_639, %iota3A : vector<16xi32>
      %eq3A_641 = arith.constant 0 : i32
      %eq3A_642 = vector.broadcast %eq3A_641 : i32 to vector<16xi32>
      %eq3A_643 = arith.cmpi eq, %get3A_636, %eq3A_642 : vector<16xi32>
      %jit3A = arith.constant -1 : i32
      %broadcast_in_dim3A_644 = vector.broadcast %jit3A : i32 to vector<16xi32>
      %select_n3A_645 = arith.select %eq3A_643, %add3A_640, %broadcast_in_dim3A_644 : vector<16xi1>, vector<16xi32>
      %max3A_646 = arith.maxsi %scan3A_629, %select_n3A_645 : vector<16xi32>
      scf.yield %max3A_646 : vector<16xi32>
    }
    %scan3A_35 = arith.constant 128 : i32
    %swap3A_36 = arith.constant 2 : i32
    %swap3A_37 = arith.index_cast %swap3A_36 : i32 to index
    %swap3A_38 = arith.constant 0 : index
    %swap3A_39 = tpu.vector_load %arg6[%swap3A_37, %swap3A_38] {strides = array<i32>} : memref<8x16xi32, #tpu.memory_space<vmem>>, vector<1x16xi32>,
    %swap3A_40 = vector.shape_cast %swap3A_39 : vector<1x16xi32> to vector<16xi32>
    %swap3A_41 = vector.shape_cast %scan3A_34 : vector<16xi32> to vector<1x16xi32>
    tpu.vector_store %arg6[%swap3A_37, %swap3A_38], %swap3A_41 {strides = array<i32>} : memref<8x16xi32, #tpu.memory_space<vmem>>, vector<1x16xi32>,
    %broadcast_in_dim3A_42 = arith.constant -1 : i32
    %broadcast_in_dim3A_43 = vector.broadcast %broadcast_in_dim3A_42 : i32 to vector<16xi32>
    %scan3A_44 = arith.constant 0 : i32
    %scan3A_45 = arith.constant 128 : i32
    %scan3A_46 = arith.addi %scan3A_44, %scan3A_45 : i32
    %scan3A_47 = arith.constant 1 : i32
    %scan3A_48 = scf.for %scan3A_628 = %scan3A_44 to %scan3A_46 step %scan3A_47 iter_args(%scan3A_629 = %broadcast_in_dim3A_43) -> (vector<16xi32>)  : i32 {
      %mul3A_630 = arith.constant 16 : i32
      %mul3A_631 = arith.muli %scan3A_628, %mul3A_630 : i32
      %get3A_632 = arith.constant 3 : i32
      %get3A_633 = arith.index_cast %get3A_632 : i32 to index
      %get3A_634 = arith.index_cast %mul3A_631 : i32 to index
      %get3A_635 = tpu.vector_load %arg5[%get3A_633, %get3A_634] {strides = array<i32>} : memref<8x2048xi32, #tpu.memory_space<vmem>>, vector<1x16xi32>,
      %get3A_636 = vector.shape_cast %get3A_635 : vector<1x16xi32> to vector<16xi32>
      %mul3A_637 = arith.constant 16 : i32
      %mul3A_638 = arith.muli %scan3A_628, %mul3A_637 : i32
      %add3A_639 = vector.broadcast %mul3A_638 : i32 to vector<16xi32>
      %add3A_640 = arith.addi %add3A_639, %iota3A : vector<16xi32>
      %eq3A_641 = arith.constant 0 : i32
      %eq3A_642 = vector.broadcast %eq3A_641 : i32 to vector<16xi32>
      %eq3A_643 = arith.cmpi eq, %get3A_636, %eq3A_642 : vector<16xi32>
      %jit3A = arith.constant -1 : i32
      %broadcast_in_dim3A_644 = vector.broadcast %jit3A : i32 to vector<16xi32>
      %select_n3A_645 = arith.select %eq3A_643, %add3A_640, %broadcast_in_dim3A_644 : vector<16xi1>, vector<16xi32>
      %max3A_646 = arith.maxsi %scan3A_629, %select_n3A_645 : vector<16xi32>
      scf.yield %max3A_646 : vector<16xi32>
    }
    %scan3A_49 = arith.constant 128 : i32
    %swap3A_50 = arith.constant 3 : i32
    %swap3A_51 = arith.index_cast %swap3A_50 : i32 to index
    %swap3A_52 = arith.constant 0 : index
    %swap3A_53 = tpu.vector_load %arg6[%swap3A_51, %swap3A_52] {strides = array<i32>} : memref<8x16xi32, #tpu.memory_space<vmem>>, vector<1x16xi32>,
    %swap3A_54 = vector.shape_cast %swap3A_53 : vector<1x16xi32> to vector<16xi32>
    %swap3A_55 = vector.shape_cast %scan3A_48 : vector<16xi32> to vector<1x16xi32>
    tpu.vector_store %arg6[%swap3A_51, %swap3A_52], %swap3A_55 {strides = array<i32>} : memref<8x16xi32, #tpu.memory_space<vmem>>, vector<1x16xi32>,
    %broadcast_in_dim3A_56 = arith.constant -1 : i32
    %broadcast_in_dim3A_57 = vector.broadcast %broadcast_in_dim3A_56 : i32 to vector<16xi32>
    %scan3A_58 = arith.constant 0 : i32
    %scan3A_59 = arith.constant 128 : i32
    %scan3A_60 = arith.addi %scan3A_58, %scan3A_59 : i32
    %scan3A_61 = arith.constant 1 : i32
    %scan3A_62 = scf.for %scan3A_628 = %scan3A_58 to %scan3A_60 step %scan3A_61 iter_args(%scan3A_629 = %broadcast_in_dim3A_57) -> (vector<16xi32>)  : i32 {
      %mul3A_630 = arith.constant 16 : i32
      %mul3A_631 = arith.muli %scan3A_628, %mul3A_630 : i32
      %get3A_632 = arith.constant 4 : i32
      %get3A_633 = arith.index_cast %get3A_632 : i32 to index
      %get3A_634 = arith.index_cast %mul3A_631 : i32 to index
      %get3A_635 = tpu.vector_load %arg5[%get3A_633, %get3A_634] {strides = array<i32>} : memref<8x2048xi32, #tpu.memory_space<vmem>>, vector<1x16xi32>,
      %get3A_636 = vector.shape_cast %get3A_635 : vector<1x16xi32> to vector<16xi32>
      %mul3A_637 = arith.constant 16 : i32
      %mul3A_638 = arith.muli %scan3A_628, %mul3A_637 : i32
      %add3A_639 = vector.broadcast %mul3A_638 : i32 to vector<16xi32>
      %add3A_640 = arith.addi %add3A_639, %iota3A : vector<16xi32>
      %eq3A_641 = arith.constant 0 : i32
      %eq3A_642 = vector.broadcast %eq3A_641 : i32 to vector<16xi32>
      %eq3A_643 = arith.cmpi eq, %get3A_636, %eq3A_642 : vector<16xi32>
      %jit3A = arith.constant -1 : i32
      %broadcast_in_dim3A_644 = vector.broadcast %jit3A : i32 to vector<16xi32>
      %select_n3A_645 = arith.select %eq3A_643, %add3A_640, %broadcast_in_dim3A_644 : vector<16xi1>, vector<16xi32>
      %max3A_646 = arith.maxsi %scan3A_629, %select_n3A_645 : vector<16xi32>
      scf.yield %max3A_646 : vector<16xi32>
    }
    %scan3A_63 = arith.constant 128 : i32
    %swap3A_64 = arith.constant 4 : i32
    %swap3A_65 = arith.index_cast %swap3A_64 : i32 to index
    %swap3A_66 = arith.constant 0 : index
    %swap3A_67 = tpu.vector_load %arg6[%swap3A_65, %swap3A_66] {strides = array<i32>} : memref<8x16xi32, #tpu.memory_space<vmem>>, vector<1x16xi32>,
    %swap3A_68 = vector.shape_cast %swap3A_67 : vector<1x16xi32> to vector<16xi32>
    %swap3A_69 = vector.shape_cast %scan3A_62 : vector<16xi32> to vector<1x16xi32>
    tpu.vector_store %arg6[%swap3A_65, %swap3A_66], %swap3A_69 {strides = array<i32>} : memref<8x16xi32, #tpu.memory_space<vmem>>, vector<1x16xi32>,
    %broadcast_in_dim3A_70 = arith.constant -1 : i32
    %broadcast_in_dim3A_71 = vector.broadcast %broadcast_in_dim3A_70 : i32 to vector<16xi32>
    %scan3A_72 = arith.constant 0 : i32
    %scan3A_73 = arith.constant 128 : i32
    %scan3A_74 = arith.addi %scan3A_72, %scan3A_73 : i32
    %scan3A_75 = arith.constant 1 : i32
    %scan3A_76 = scf.for %scan3A_628 = %scan3A_72 to %scan3A_74 step %scan3A_75 iter_args(%scan3A_629 = %broadcast_in_dim3A_71) -> (vector<16xi32>)  : i32 {
      %mul3A_630 = arith.constant 16 : i32
      %mul3A_631 = arith.muli %scan3A_628, %mul3A_630 : i32
      %get3A_632 = arith.constant 5 : i32
      %get3A_633 = arith.index_cast %get3A_632 : i32 to index
      %get3A_634 = arith.index_cast %mul3A_631 : i32 to index
      %get3A_635 = tpu.vector_load %arg5[%get3A_633, %get3A_634] {strides = array<i32>} : memref<8x2048xi32, #tpu.memory_space<vmem>>, vector<1x16xi32>,
      %get3A_636 = vector.shape_cast %get3A_635 : vector<1x16xi32> to vector<16xi32>
      %mul3A_637 = arith.constant 16 : i32
      %mul3A_638 = arith.muli %scan3A_628, %mul3A_637 : i32
      %add3A_639 = vector.broadcast %mul3A_638 : i32 to vector<16xi32>
      %add3A_640 = arith.addi %add3A_639, %iota3A : vector<16xi32>
      %eq3A_641 = arith.constant 0 : i32
      %eq3A_642 = vector.broadcast %eq3A_641 : i32 to vector<16xi32>
      %eq3A_643 = arith.cmpi eq, %get3A_636, %eq3A_642 : vector<16xi32>
      %jit3A = arith.constant -1 : i32
      %broadcast_in_dim3A_644 = vector.broadcast %jit3A : i32 to vector<16xi32>
      %select_n3A_645 = arith.select %eq3A_643, %add3A_640, %broadcast_in_dim3A_644 : vector<16xi1>, vector<16xi32>
      %max3A_646 = arith.maxsi %scan3A_629, %select_n3A_645 : vector<16xi32>
      scf.yield %max3A_646 : vector<16xi32>
    }
    %scan3A_77 = arith.constant 128 : i32
    %swap3A_78 = arith.constant 5 : i32
    %swap3A_79 = arith.index_cast %swap3A_78 : i32 to index
    %swap3A_80 = arith.constant 0 : index
    %swap3A_81 = tpu.vector_load %arg6[%swap3A_79, %swap3A_80] {strides = array<i32>} : memref<8x16xi32, #tpu.memory_space<vmem>>, vector<1x16xi32>,
    %swap3A_82 = vector.shape_cast %swap3A_81 : vector<1x16xi32> to vector<16xi32>
    %swap3A_83 = vector.shape_cast %scan3A_76 : vector<16xi32> to vector<1x16xi32>
    tpu.vector_store %arg6[%swap3A_79, %swap3A_80], %swap3A_83 {strides = array<i32>} : memref<8x16xi32, #tpu.memory_space<vmem>>, vector<1x16xi32>,
    %broadcast_in_dim3A_84 = arith.constant -1 : i32
    %broadcast_in_dim3A_85 = vector.broadcast %broadcast_in_dim3A_84 : i32 to vector<16xi32>
    %scan3A_86 = arith.constant 0 : i32
    %scan3A_87 = arith.constant 128 : i32
    %scan3A_88 = arith.addi %scan3A_86, %scan3A_87 : i32
    %scan3A_89 = arith.constant 1 : i32
    %scan3A_90 = scf.for %scan3A_628 = %scan3A_86 to %scan3A_88 step %scan3A_89 iter_args(%scan3A_629 = %broadcast_in_dim3A_85) -> (vector<16xi32>)  : i32 {
      %mul3A_630 = arith.constant 16 : i32
      %mul3A_631 = arith.muli %scan3A_628, %mul3A_630 : i32
      %get3A_632 = arith.constant 6 : i32
      %get3A_633 = arith.index_cast %get3A_632 : i32 to index
      %get3A_634 = arith.index_cast %mul3A_631 : i32 to index
      %get3A_635 = tpu.vector_load %arg5[%get3A_633, %get3A_634] {strides = array<i32>} : memref<8x2048xi32, #tpu.memory_space<vmem>>, vector<1x16xi32>,
      %get3A_636 = vector.shape_cast %get3A_635 : vector<1x16xi32> to vector<16xi32>
      %mul3A_637 = arith.constant 16 : i32
      %mul3A_638 = arith.muli %scan3A_628, %mul3A_637 : i32
      %add3A_639 = vector.broadcast %mul3A_638 : i32 to vector<16xi32>
      %add3A_640 = arith.addi %add3A_639, %iota3A : vector<16xi32>
      %eq3A_641 = arith.constant 0 : i32
      %eq3A_642 = vector.broadcast %eq3A_641 : i32 to vector<16xi32>
      %eq3A_643 = arith.cmpi eq, %get3A_636, %eq3A_642 : vector<16xi32>
      %jit3A = arith.constant -1 : i32
      %broadcast_in_dim3A_644 = vector.broadcast %jit3A : i32 to vector<16xi32>
      %select_n3A_645 = arith.select %eq3A_643, %add3A_640, %broadcast_in_dim3A_644 : vector<16xi1>, vector<16xi32>
      %max3A_646 = arith.maxsi %scan3A_629, %select_n3A_645 : vector<16xi32>
      scf.yield %max3A_646 : vector<16xi32>
    }
    %scan3A_91 = arith.constant 128 : i32
    %swap3A_92 = arith.constant 6 : i32
    %swap3A_93 = arith.index_cast %swap3A_92 : i32 to index
    %swap3A_94 = arith.constant 0 : index
    %swap3A_95 = tpu.vector_load %arg6[%swap3A_93, %swap3A_94] {strides = array<i32>} : memref<8x16xi32, #tpu.memory_space<vmem>>, vector<1x16xi32>,
    %swap3A_96 = vector.shape_cast %swap3A_95 : vector<1x16xi32> to vector<16xi32>
    %swap3A_97 = vector.shape_cast %scan3A_90 : vector<16xi32> to vector<1x16xi32>
    tpu.vector_store %arg6[%swap3A_93, %swap3A_94], %swap3A_97 {strides = array<i32>} : memref<8x16xi32, #tpu.memory_space<vmem>>, vector<1x16xi32>,
    %broadcast_in_dim3A_98 = arith.constant -1 : i32
    %broadcast_in_dim3A_99 = vector.broadcast %broadcast_in_dim3A_98 : i32 to vector<16xi32>
    %scan3A_100 = arith.constant 0 : i32
    %scan3A_101 = arith.constant 128 : i32
    %scan3A_102 = arith.addi %scan3A_100, %scan3A_101 : i32
    %scan3A_103 = arith.constant 1 : i32
    %scan3A_104 = scf.for %scan3A_628 = %scan3A_100 to %scan3A_102 step %scan3A_103 iter_args(%scan3A_629 = %broadcast_in_dim3A_99) -> (vector<16xi32>)  : i32 {
      %mul3A_630 = arith.constant 16 : i32
      %mul3A_631 = arith.muli %scan3A_628, %mul3A_630 : i32
      %get3A_632 = arith.constant 7 : i32
      %get3A_633 = arith.index_cast %get3A_632 : i32 to index
      %get3A_634 = arith.index_cast %mul3A_631 : i32 to index
      %get3A_635 = tpu.vector_load %arg5[%get3A_633, %get3A_634] {strides = array<i32>} : memref<8x2048xi32, #tpu.memory_space<vmem>>, vector<1x16xi32>,
      %get3A_636 = vector.shape_cast %get3A_635 : vector<1x16xi32> to vector<16xi32>
      %mul3A_637 = arith.constant 16 : i32
      %mul3A_638 = arith.muli %scan3A_628, %mul3A_637 : i32
      %add3A_639 = vector.broadcast %mul3A_638 : i32 to vector<16xi32>
      %add3A_640 = arith.addi %add3A_639, %iota3A : vector<16xi32>
      %eq3A_641 = arith.constant 0 : i32
      %eq3A_642 = vector.broadcast %eq3A_641 : i32 to vector<16xi32>
      %eq3A_643 = arith.cmpi eq, %get3A_636, %eq3A_642 : vector<16xi32>
      %jit3A = arith.constant -1 : i32
      %broadcast_in_dim3A_644 = vector.broadcast %jit3A : i32 to vector<16xi32>
      %select_n3A_645 = arith.select %eq3A_643, %add3A_640, %broadcast_in_dim3A_644 : vector<16xi1>, vector<16xi32>
      %max3A_646 = arith.maxsi %scan3A_629, %select_n3A_645 : vector<16xi32>
      scf.yield %max3A_646 : vector<16xi32>
    }
    %scan3A_105 = arith.constant 128 : i32
    %swap3A_106 = arith.constant 7 : i32
    %swap3A_107 = arith.index_cast %swap3A_106 : i32 to index
    %swap3A_108 = arith.constant 0 : index
    %swap3A_109 = tpu.vector_load %arg6[%swap3A_107, %swap3A_108] {strides = array<i32>} : memref<8x16xi32, #tpu.memory_space<vmem>>, vector<1x16xi32>,
    %swap3A_110 = vector.shape_cast %swap3A_109 : vector<1x16xi32> to vector<16xi32>
    %swap3A_111 = vector.shape_cast %scan3A_104 : vector<16xi32> to vector<1x16xi32>
    tpu.vector_store %arg6[%swap3A_107, %swap3A_108], %swap3A_111 {strides = array<i32>} : memref<8x16xi32, #tpu.memory_space<vmem>>, vector<1x16xi32>,
    %broadcast_in_dim3A_112 = arith.constant 0 : i32
    %broadcast_in_dim3A_113 = vector.broadcast %broadcast_in_dim3A_112 : i32 to vector<16xi32>
    %get3A = arith.constant 0 : i32
    %get3A_114 = arith.index_cast %get3A : i32 to index
    %get3A_115 = arith.constant 0 : index
    %get3A_116 = tpu.vector_load %arg6[%get3A_114, %get3A_115] {strides = array<i32>} : memref<8x16xi32, #tpu.memory_space<vmem>>, vector<1x16xi32>,
    %get3A_117 = vector.shape_cast %get3A_116 : vector<1x16xi32> to vector<16xi32>
    %slice3A = vector.extract_strided_slice %get3A_117 {offsets = [0], sizes = [1], strides = [1]} : vector<16xi32> to vector<1xi32>
    %squeeze3A = vector.extract %slice3A[0] : i32 from vector<1xi32>
    %slice3A_118 = vector.extract_strided_slice %get3A_117 {offsets = [1], sizes = [1], strides = [1]} : vector<16xi32> to vector<1xi32>
    %squeeze3A_119 = vector.extract %slice3A_118[0] : i32 from vector<1xi32>
    %max3A = arith.maxsi %squeeze3A, %squeeze3A_119 : i32
    %slice3A_120 = vector.extract_strided_slice %get3A_117 {offsets = [2], sizes = [1], strides = [1]} : vector<16xi32> to vector<1xi32>
    %squeeze3A_121 = vector.extract %slice3A_120[0] : i32 from vector<1xi32>
    %max3A_122 = arith.maxsi %max3A, %squeeze3A_121 : i32
    %slice3A_123 = vector.extract_strided_slice %get3A_117 {offsets = [3], sizes = [1], strides = [1]} : vector<16xi32> to vector<1xi32>
    %squeeze3A_124 = vector.extract %slice3A_123[0] : i32 from vector<1xi32>
    %max3A_125 = arith.maxsi %max3A_122, %squeeze3A_124 : i32
    %slice3A_126 = vector.extract_strided_slice %get3A_117 {offsets = [4], sizes = [1], strides = [1]} : vector<16xi32> to vector<1xi32>
    %squeeze3A_127 = vector.extract %slice3A_126[0] : i32 from vector<1xi32>
    %max3A_128 = arith.maxsi %max3A_125, %squeeze3A_127 : i32
    %slice3A_129 = vector.extract_strided_slice %get3A_117 {offsets = [5], sizes = [1], strides = [1]} : vector<16xi32> to vector<1xi32>
    %squeeze3A_130 = vector.extract %slice3A_129[0] : i32 from vector<1xi32>
    %max3A_131 = arith.maxsi %max3A_128, %squeeze3A_130 : i32
    %slice3A_132 = vector.extract_strided_slice %get3A_117 {offsets = [6], sizes = [1], strides = [1]} : vector<16xi32> to vector<1xi32>
    %squeeze3A_133 = vector.extract %slice3A_132[0] : i32 from vector<1xi32>
    %max3A_134 = arith.maxsi %max3A_131, %squeeze3A_133 : i32
    %slice3A_135 = vector.extract_strided_slice %get3A_117 {offsets = [7], sizes = [1], strides = [1]} : vector<16xi32> to vector<1xi32>
    %squeeze3A_136 = vector.extract %slice3A_135[0] : i32 from vector<1xi32>
    %max3A_137 = arith.maxsi %max3A_134, %squeeze3A_136 : i32
    %slice3A_138 = vector.extract_strided_slice %get3A_117 {offsets = [8], sizes = [1], strides = [1]} : vector<16xi32> to vector<1xi32>
    %squeeze3A_139 = vector.extract %slice3A_138[0] : i32 from vector<1xi32>
    %max3A_140 = arith.maxsi %max3A_137, %squeeze3A_139 : i32
    %slice3A_141 = vector.extract_strided_slice %get3A_117 {offsets = [9], sizes = [1], strides = [1]} : vector<16xi32> to vector<1xi32>
    %squeeze3A_142 = vector.extract %slice3A_141[0] : i32 from vector<1xi32>
    %max3A_143 = arith.maxsi %max3A_140, %squeeze3A_142 : i32
    %slice3A_144 = vector.extract_strided_slice %get3A_117 {offsets = [10], sizes = [1], strides = [1]} : vector<16xi32> to vector<1xi32>
    %squeeze3A_145 = vector.extract %slice3A_144[0] : i32 from vector<1xi32>
    %max3A_146 = arith.maxsi %max3A_143, %squeeze3A_145 : i32
    %slice3A_147 = vector.extract_strided_slice %get3A_117 {offsets = [11], sizes = [1], strides = [1]} : vector<16xi32> to vector<1xi32>
    %squeeze3A_148 = vector.extract %slice3A_147[0] : i32 from vector<1xi32>
    %max3A_149 = arith.maxsi %max3A_146, %squeeze3A_148 : i32
    %slice3A_150 = vector.extract_strided_slice %get3A_117 {offsets = [12], sizes = [1], strides = [1]} : vector<16xi32> to vector<1xi32>
    %squeeze3A_151 = vector.extract %slice3A_150[0] : i32 from vector<1xi32>
    %max3A_152 = arith.maxsi %max3A_149, %squeeze3A_151 : i32
    %slice3A_153 = vector.extract_strided_slice %get3A_117 {offsets = [13], sizes = [1], strides = [1]} : vector<16xi32> to vector<1xi32>
    %squeeze3A_154 = vector.extract %slice3A_153[0] : i32 from vector<1xi32>
    %max3A_155 = arith.maxsi %max3A_152, %squeeze3A_154 : i32
    %slice3A_156 = vector.extract_strided_slice %get3A_117 {offsets = [14], sizes = [1], strides = [1]} : vector<16xi32> to vector<1xi32>
    %squeeze3A_157 = vector.extract %slice3A_156[0] : i32 from vector<1xi32>
    %max3A_158 = arith.maxsi %max3A_155, %squeeze3A_157 : i32
    %slice3A_159 = vector.extract_strided_slice %get3A_117 {offsets = [15], sizes = [1], strides = [1]} : vector<16xi32> to vector<1xi32>
    %squeeze3A_160 = vector.extract %slice3A_159[0] : i32 from vector<1xi32>
    %max3A_161 = arith.maxsi %max3A_158, %squeeze3A_160 : i32
    %add3A_162 = arith.constant 0 : i32
    %add3A_163 = arith.addi %mul3A_2, %add3A_162 : i32
    %mul3A_164 = arith.constant 2048 : i32
    %mul3A_165 = arith.muli %add3A_163, %mul3A_164 : i32
    %max3A_166 = arith.constant 0 : i32
    %max3A_167 = arith.maxsi %max3A_161, %max3A_166 : i32
    %add3A_168 = arith.addi %mul3A_165, %max3A_167 : i32
    %eq3A = arith.constant 0 : i32
    %eq3A_169 = vector.broadcast %eq3A : i32 to vector<16xi32>
    %eq3A_170 = arith.cmpi eq, %iota3A, %eq3A_169 : vector<16xi32>
    %broadcast_in_dim3A_171 = vector.broadcast %add3A_168 : i32 to vector<16xi32>
    %select_n3A = arith.select %eq3A_170, %broadcast_in_dim3A_171, %broadcast_in_dim3A_113 : vector<16xi1>, vector<16xi32>
    %get3A_172 = arith.constant 1 : i32
    %get3A_173 = arith.index_cast %get3A_172 : i32 to index
    %get3A_174 = arith.constant 0 : index
    %get3A_175 = tpu.vector_load %arg6[%get3A_173, %get3A_174] {strides = array<i32>} : memref<8x16xi32, #tpu.memory_space<vmem>>, vector<1x16xi32>,
    %get3A_176 = vector.shape_cast %get3A_175 : vector<1x16xi32> to vector<16xi32>
    %slice3A_177 = vector.extract_strided_slice %get3A_176 {offsets = [0], sizes = [1], strides = [1]} : vector<16xi32> to vector<1xi32>
    %squeeze3A_178 = vector.extract %slice3A_177[0] : i32 from vector<1xi32>
    %slice3A_179 = vector.extract_strided_slice %get3A_176 {offsets = [1], sizes = [1], strides = [1]} : vector<16xi32> to vector<1xi32>
    %squeeze3A_180 = vector.extract %slice3A_179[0] : i32 from vector<1xi32>
    %max3A_181 = arith.maxsi %squeeze3A_178, %squeeze3A_180 : i32
    %slice3A_182 = vector.extract_strided_slice %get3A_176 {offsets = [2], sizes = [1], strides = [1]} : vector<16xi32> to vector<1xi32>
    %squeeze3A_183 = vector.extract %slice3A_182[0] : i32 from vector<1xi32>
    %max3A_184 = arith.maxsi %max3A_181, %squeeze3A_183 : i32
    %slice3A_185 = vector.extract_strided_slice %get3A_176 {offsets = [3], sizes = [1], strides = [1]} : vector<16xi32> to vector<1xi32>
    %squeeze3A_186 = vector.extract %slice3A_185[0] : i32 from vector<1xi32>
    %max3A_187 = arith.maxsi %max3A_184, %squeeze3A_186 : i32
    %slice3A_188 = vector.extract_strided_slice %get3A_176 {offsets = [4], sizes = [1], strides = [1]} : vector<16xi32> to vector<1xi32>
    %squeeze3A_189 = vector.extract %slice3A_188[0] : i32 from vector<1xi32>
    %max3A_190 = arith.maxsi %max3A_187, %squeeze3A_189 : i32
    %slice3A_191 = vector.extract_strided_slice %get3A_176 {offsets = [5], sizes = [1], strides = [1]} : vector<16xi32> to vector<1xi32>
    %squeeze3A_192 = vector.extract %slice3A_191[0] : i32 from vector<1xi32>
    %max3A_193 = arith.maxsi %max3A_190, %squeeze3A_192 : i32
    %slice3A_194 = vector.extract_strided_slice %get3A_176 {offsets = [6], sizes = [1], strides = [1]} : vector<16xi32> to vector<1xi32>
    %squeeze3A_195 = vector.extract %slice3A_194[0] : i32 from vector<1xi32>
    %max3A_196 = arith.maxsi %max3A_193, %squeeze3A_195 : i32
    %slice3A_197 = vector.extract_strided_slice %get3A_176 {offsets = [7], sizes = [1], strides = [1]} : vector<16xi32> to vector<1xi32>
    %squeeze3A_198 = vector.extract %slice3A_197[0] : i32 from vector<1xi32>
    %max3A_199 = arith.maxsi %max3A_196, %squeeze3A_198 : i32
    %slice3A_200 = vector.extract_strided_slice %get3A_176 {offsets = [8], sizes = [1], strides = [1]} : vector<16xi32> to vector<1xi32>
    %squeeze3A_201 = vector.extract %slice3A_200[0] : i32 from vector<1xi32>
    %max3A_202 = arith.maxsi %max3A_199, %squeeze3A_201 : i32
    %slice3A_203 = vector.extract_strided_slice %get3A_176 {offsets = [9], sizes = [1], strides = [1]} : vector<16xi32> to vector<1xi32>
    %squeeze3A_204 = vector.extract %slice3A_203[0] : i32 from vector<1xi32>
    %max3A_205 = arith.maxsi %max3A_202, %squeeze3A_204 : i32
    %slice3A_206 = vector.extract_strided_slice %get3A_176 {offsets = [10], sizes = [1], strides = [1]} : vector<16xi32> to vector<1xi32>
    %squeeze3A_207 = vector.extract %slice3A_206[0] : i32 from vector<1xi32>
    %max3A_208 = arith.maxsi %max3A_205, %squeeze3A_207 : i32
    %slice3A_209 = vector.extract_strided_slice %get3A_176 {offsets = [11], sizes = [1], strides = [1]} : vector<16xi32> to vector<1xi32>
    %squeeze3A_210 = vector.extract %slice3A_209[0] : i32 from vector<1xi32>
    %max3A_211 = arith.maxsi %max3A_208, %squeeze3A_210 : i32
    %slice3A_212 = vector.extract_strided_slice %get3A_176 {offsets = [12], sizes = [1], strides = [1]} : vector<16xi32> to vector<1xi32>
    %squeeze3A_213 = vector.extract %slice3A_212[0] : i32 from vector<1xi32>
    %max3A_214 = arith.maxsi %max3A_211, %squeeze3A_213 : i32
    %slice3A_215 = vector.extract_strided_slice %get3A_176 {offsets = [13], sizes = [1], strides = [1]} : vector<16xi32> to vector<1xi32>
    %squeeze3A_216 = vector.extract %slice3A_215[0] : i32 from vector<1xi32>
    %max3A_217 = arith.maxsi %max3A_214, %squeeze3A_216 : i32
    %slice3A_218 = vector.extract_strided_slice %get3A_176 {offsets = [14], sizes = [1], strides = [1]} : vector<16xi32> to vector<1xi32>
    %squeeze3A_219 = vector.extract %slice3A_218[0] : i32 from vector<1xi32>
    %max3A_220 = arith.maxsi %max3A_217, %squeeze3A_219 : i32
    %slice3A_221 = vector.extract_strided_slice %get3A_176 {offsets = [15], sizes = [1], strides = [1]} : vector<16xi32> to vector<1xi32>
    %squeeze3A_222 = vector.extract %slice3A_221[0] : i32 from vector<1xi32>
    %max3A_223 = arith.maxsi %max3A_220, %squeeze3A_222 : i32
    %add3A_224 = arith.constant 1 : i32
    %add3A_225 = arith.addi %mul3A_2, %add3A_224 : i32
    %mul3A_226 = arith.constant 2048 : i32
    %mul3A_227 = arith.muli %add3A_225, %mul3A_226 : i32
    %max3A_228 = arith.constant 0 : i32
    %max3A_229 = arith.maxsi %max3A_223, %max3A_228 : i32
    %add3A_230 = arith.addi %mul3A_227, %max3A_229 : i32
    %eq3A_231 = arith.constant 1 : i32
    %eq3A_232 = vector.broadcast %eq3A_231 : i32 to vector<16xi32>
    %eq3A_233 = arith.cmpi eq, %iota3A, %eq3A_232 : vector<16xi32>
    %broadcast_in_dim3A_234 = vector.broadcast %add3A_230 : i32 to vector<16xi32>
    %select_n3A_235 = arith.select %eq3A_233, %broadcast_in_dim3A_234, %select_n3A : vector<16xi1>, vector<16xi32>
    %get3A_236 = arith.constant 2 : i32
    %get3A_237 = arith.index_cast %get3A_236 : i32 to index
    %get3A_238 = arith.constant 0 : index
    %get3A_239 = tpu.vector_load %arg6[%get3A_237, %get3A_238] {strides = array<i32>} : memref<8x16xi32, #tpu.memory_space<vmem>>, vector<1x16xi32>,
    %get3A_240 = vector.shape_cast %get3A_239 : vector<1x16xi32> to vector<16xi32>
    %slice3A_241 = vector.extract_strided_slice %get3A_240 {offsets = [0], sizes = [1], strides = [1]} : vector<16xi32> to vector<1xi32>
    %squeeze3A_242 = vector.extract %slice3A_241[0] : i32 from vector<1xi32>
    %slice3A_243 = vector.extract_strided_slice %get3A_240 {offsets = [1], sizes = [1], strides = [1]} : vector<16xi32> to vector<1xi32>
    %squeeze3A_244 = vector.extract %slice3A_243[0] : i32 from vector<1xi32>
    %max3A_245 = arith.maxsi %squeeze3A_242, %squeeze3A_244 : i32
    %slice3A_246 = vector.extract_strided_slice %get3A_240 {offsets = [2], sizes = [1], strides = [1]} : vector<16xi32> to vector<1xi32>
    %squeeze3A_247 = vector.extract %slice3A_246[0] : i32 from vector<1xi32>
    %max3A_248 = arith.maxsi %max3A_245, %squeeze3A_247 : i32
    %slice3A_249 = vector.extract_strided_slice %get3A_240 {offsets = [3], sizes = [1], strides = [1]} : vector<16xi32> to vector<1xi32>
    %squeeze3A_250 = vector.extract %slice3A_249[0] : i32 from vector<1xi32>
    %max3A_251 = arith.maxsi %max3A_248, %squeeze3A_250 : i32
    %slice3A_252 = vector.extract_strided_slice %get3A_240 {offsets = [4], sizes = [1], strides = [1]} : vector<16xi32> to vector<1xi32>
    %squeeze3A_253 = vector.extract %slice3A_252[0] : i32 from vector<1xi32>
    %max3A_254 = arith.maxsi %max3A_251, %squeeze3A_253 : i32
    %slice3A_255 = vector.extract_strided_slice %get3A_240 {offsets = [5], sizes = [1], strides = [1]} : vector<16xi32> to vector<1xi32>
    %squeeze3A_256 = vector.extract %slice3A_255[0] : i32 from vector<1xi32>
    %max3A_257 = arith.maxsi %max3A_254, %squeeze3A_256 : i32
    %slice3A_258 = vector.extract_strided_slice %get3A_240 {offsets = [6], sizes = [1], strides = [1]} : vector<16xi32> to vector<1xi32>
    %squeeze3A_259 = vector.extract %slice3A_258[0] : i32 from vector<1xi32>
    %max3A_260 = arith.maxsi %max3A_257, %squeeze3A_259 : i32
    %slice3A_261 = vector.extract_strided_slice %get3A_240 {offsets = [7], sizes = [1], strides = [1]} : vector<16xi32> to vector<1xi32>
    %squeeze3A_262 = vector.extract %slice3A_261[0] : i32 from vector<1xi32>
    %max3A_263 = arith.maxsi %max3A_260, %squeeze3A_262 : i32
    %slice3A_264 = vector.extract_strided_slice %get3A_240 {offsets = [8], sizes = [1], strides = [1]} : vector<16xi32> to vector<1xi32>
    %squeeze3A_265 = vector.extract %slice3A_264[0] : i32 from vector<1xi32>
    %max3A_266 = arith.maxsi %max3A_263, %squeeze3A_265 : i32
    %slice3A_267 = vector.extract_strided_slice %get3A_240 {offsets = [9], sizes = [1], strides = [1]} : vector<16xi32> to vector<1xi32>
    %squeeze3A_268 = vector.extract %slice3A_267[0] : i32 from vector<1xi32>
    %max3A_269 = arith.maxsi %max3A_266, %squeeze3A_268 : i32
    %slice3A_270 = vector.extract_strided_slice %get3A_240 {offsets = [10], sizes = [1], strides = [1]} : vector<16xi32> to vector<1xi32>
    %squeeze3A_271 = vector.extract %slice3A_270[0] : i32 from vector<1xi32>
    %max3A_272 = arith.maxsi %max3A_269, %squeeze3A_271 : i32
    %slice3A_273 = vector.extract_strided_slice %get3A_240 {offsets = [11], sizes = [1], strides = [1]} : vector<16xi32> to vector<1xi32>
    %squeeze3A_274 = vector.extract %slice3A_273[0] : i32 from vector<1xi32>
    %max3A_275 = arith.maxsi %max3A_272, %squeeze3A_274 : i32
    %slice3A_276 = vector.extract_strided_slice %get3A_240 {offsets = [12], sizes = [1], strides = [1]} : vector<16xi32> to vector<1xi32>
    %squeeze3A_277 = vector.extract %slice3A_276[0] : i32 from vector<1xi32>
    %max3A_278 = arith.maxsi %max3A_275, %squeeze3A_277 : i32
    %slice3A_279 = vector.extract_strided_slice %get3A_240 {offsets = [13], sizes = [1], strides = [1]} : vector<16xi32> to vector<1xi32>
    %squeeze3A_280 = vector.extract %slice3A_279[0] : i32 from vector<1xi32>
    %max3A_281 = arith.maxsi %max3A_278, %squeeze3A_280 : i32
    %slice3A_282 = vector.extract_strided_slice %get3A_240 {offsets = [14], sizes = [1], strides = [1]} : vector<16xi32> to vector<1xi32>
    %squeeze3A_283 = vector.extract %slice3A_282[0] : i32 from vector<1xi32>
    %max3A_284 = arith.maxsi %max3A_281, %squeeze3A_283 : i32
    %slice3A_285 = vector.extract_strided_slice %get3A_240 {offsets = [15], sizes = [1], strides = [1]} : vector<16xi32> to vector<1xi32>
    %squeeze3A_286 = vector.extract %slice3A_285[0] : i32 from vector<1xi32>
    %max3A_287 = arith.maxsi %max3A_284, %squeeze3A_286 : i32
    %add3A_288 = arith.constant 2 : i32
    %add3A_289 = arith.addi %mul3A_2, %add3A_288 : i32
    %mul3A_290 = arith.constant 2048 : i32
    %mul3A_291 = arith.muli %add3A_289, %mul3A_290 : i32
    %max3A_292 = arith.constant 0 : i32
    %max3A_293 = arith.maxsi %max3A_287, %max3A_292 : i32
    %add3A_294 = arith.addi %mul3A_291, %max3A_293 : i32
    %eq3A_295 = arith.constant 2 : i32
    %eq3A_296 = vector.broadcast %eq3A_295 : i32 to vector<16xi32>
    %eq3A_297 = arith.cmpi eq, %iota3A, %eq3A_296 : vector<16xi32>
    %broadcast_in_dim3A_298 = vector.broadcast %add3A_294 : i32 to vector<16xi32>
    %select_n3A_299 = arith.select %eq3A_297, %broadcast_in_dim3A_298, %select_n3A_235 : vector<16xi1>, vector<16xi32>
    %get3A_300 = arith.constant 3 : i32
    %get3A_301 = arith.index_cast %get3A_300 : i32 to index
    %get3A_302 = arith.constant 0 : index
    %get3A_303 = tpu.vector_load %arg6[%get3A_301, %get3A_302] {strides = array<i32>} : memref<8x16xi32, #tpu.memory_space<vmem>>, vector<1x16xi32>,
    %get3A_304 = vector.shape_cast %get3A_303 : vector<1x16xi32> to vector<16xi32>
    %slice3A_305 = vector.extract_strided_slice %get3A_304 {offsets = [0], sizes = [1], strides = [1]} : vector<16xi32> to vector<1xi32>
    %squeeze3A_306 = vector.extract %slice3A_305[0] : i32 from vector<1xi32>
    %slice3A_307 = vector.extract_strided_slice %get3A_304 {offsets = [1], sizes = [1], strides = [1]} : vector<16xi32> to vector<1xi32>
    %squeeze3A_308 = vector.extract %slice3A_307[0] : i32 from vector<1xi32>
    %max3A_309 = arith.maxsi %squeeze3A_306, %squeeze3A_308 : i32
    %slice3A_310 = vector.extract_strided_slice %get3A_304 {offsets = [2], sizes = [1], strides = [1]} : vector<16xi32> to vector<1xi32>
    %squeeze3A_311 = vector.extract %slice3A_310[0] : i32 from vector<1xi32>
    %max3A_312 = arith.maxsi %max3A_309, %squeeze3A_311 : i32
    %slice3A_313 = vector.extract_strided_slice %get3A_304 {offsets = [3], sizes = [1], strides = [1]} : vector<16xi32> to vector<1xi32>
    %squeeze3A_314 = vector.extract %slice3A_313[0] : i32 from vector<1xi32>
    %max3A_315 = arith.maxsi %max3A_312, %squeeze3A_314 : i32
    %slice3A_316 = vector.extract_strided_slice %get3A_304 {offsets = [4], sizes = [1], strides = [1]} : vector<16xi32> to vector<1xi32>
    %squeeze3A_317 = vector.extract %slice3A_316[0] : i32 from vector<1xi32>
    %max3A_318 = arith.maxsi %max3A_315, %squeeze3A_317 : i32
    %slice3A_319 = vector.extract_strided_slice %get3A_304 {offsets = [5], sizes = [1], strides = [1]} : vector<16xi32> to vector<1xi32>
    %squeeze3A_320 = vector.extract %slice3A_319[0] : i32 from vector<1xi32>
    %max3A_321 = arith.maxsi %max3A_318, %squeeze3A_320 : i32
    %slice3A_322 = vector.extract_strided_slice %get3A_304 {offsets = [6], sizes = [1], strides = [1]} : vector<16xi32> to vector<1xi32>
    %squeeze3A_323 = vector.extract %slice3A_322[0] : i32 from vector<1xi32>
    %max3A_324 = arith.maxsi %max3A_321, %squeeze3A_323 : i32
    %slice3A_325 = vector.extract_strided_slice %get3A_304 {offsets = [7], sizes = [1], strides = [1]} : vector<16xi32> to vector<1xi32>
    %squeeze3A_326 = vector.extract %slice3A_325[0] : i32 from vector<1xi32>
    %max3A_327 = arith.maxsi %max3A_324, %squeeze3A_326 : i32
    %slice3A_328 = vector.extract_strided_slice %get3A_304 {offsets = [8], sizes = [1], strides = [1]} : vector<16xi32> to vector<1xi32>
    %squeeze3A_329 = vector.extract %slice3A_328[0] : i32 from vector<1xi32>
    %max3A_330 = arith.maxsi %max3A_327, %squeeze3A_329 : i32
    %slice3A_331 = vector.extract_strided_slice %get3A_304 {offsets = [9], sizes = [1], strides = [1]} : vector<16xi32> to vector<1xi32>
    %squeeze3A_332 = vector.extract %slice3A_331[0] : i32 from vector<1xi32>
    %max3A_333 = arith.maxsi %max3A_330, %squeeze3A_332 : i32
    %slice3A_334 = vector.extract_strided_slice %get3A_304 {offsets = [10], sizes = [1], strides = [1]} : vector<16xi32> to vector<1xi32>
    %squeeze3A_335 = vector.extract %slice3A_334[0] : i32 from vector<1xi32>
    %max3A_336 = arith.maxsi %max3A_333, %squeeze3A_335 : i32
    %slice3A_337 = vector.extract_strided_slice %get3A_304 {offsets = [11], sizes = [1], strides = [1]} : vector<16xi32> to vector<1xi32>
    %squeeze3A_338 = vector.extract %slice3A_337[0] : i32 from vector<1xi32>
    %max3A_339 = arith.maxsi %max3A_336, %squeeze3A_338 : i32
    %slice3A_340 = vector.extract_strided_slice %get3A_304 {offsets = [12], sizes = [1], strides = [1]} : vector<16xi32> to vector<1xi32>
    %squeeze3A_341 = vector.extract %slice3A_340[0] : i32 from vector<1xi32>
    %max3A_342 = arith.maxsi %max3A_339, %squeeze3A_341 : i32
    %slice3A_343 = vector.extract_strided_slice %get3A_304 {offsets = [13], sizes = [1], strides = [1]} : vector<16xi32> to vector<1xi32>
    %squeeze3A_344 = vector.extract %slice3A_343[0] : i32 from vector<1xi32>
    %max3A_345 = arith.maxsi %max3A_342, %squeeze3A_344 : i32
    %slice3A_346 = vector.extract_strided_slice %get3A_304 {offsets = [14], sizes = [1], strides = [1]} : vector<16xi32> to vector<1xi32>
    %squeeze3A_347 = vector.extract %slice3A_346[0] : i32 from vector<1xi32>
    %max3A_348 = arith.maxsi %max3A_345, %squeeze3A_347 : i32
    %slice3A_349 = vector.extract_strided_slice %get3A_304 {offsets = [15], sizes = [1], strides = [1]} : vector<16xi32> to vector<1xi32>
    %squeeze3A_350 = vector.extract %slice3A_349[0] : i32 from vector<1xi32>
    %max3A_351 = arith.maxsi %max3A_348, %squeeze3A_350 : i32
    %add3A_352 = arith.constant 3 : i32
    %add3A_353 = arith.addi %mul3A_2, %add3A_352 : i32
    %mul3A_354 = arith.constant 2048 : i32
    %mul3A_355 = arith.muli %add3A_353, %mul3A_354 : i32
    %max3A_356 = arith.constant 0 : i32
    %max3A_357 = arith.maxsi %max3A_351, %max3A_356 : i32
    %add3A_358 = arith.addi %mul3A_355, %max3A_357 : i32
    %eq3A_359 = arith.constant 3 : i32
    %eq3A_360 = vector.broadcast %eq3A_359 : i32 to vector<16xi32>
    %eq3A_361 = arith.cmpi eq, %iota3A, %eq3A_360 : vector<16xi32>
    %broadcast_in_dim3A_362 = vector.broadcast %add3A_358 : i32 to vector<16xi32>
    %select_n3A_363 = arith.select %eq3A_361, %broadcast_in_dim3A_362, %select_n3A_299 : vector<16xi1>, vector<16xi32>
    %get3A_364 = arith.constant 4 : i32
    %get3A_365 = arith.index_cast %get3A_364 : i32 to index
    %get3A_366 = arith.constant 0 : index
    %get3A_367 = tpu.vector_load %arg6[%get3A_365, %get3A_366] {strides = array<i32>} : memref<8x16xi32, #tpu.memory_space<vmem>>, vector<1x16xi32>,
    %get3A_368 = vector.shape_cast %get3A_367 : vector<1x16xi32> to vector<16xi32>
    %slice3A_369 = vector.extract_strided_slice %get3A_368 {offsets = [0], sizes = [1], strides = [1]} : vector<16xi32> to vector<1xi32>
    %squeeze3A_370 = vector.extract %slice3A_369[0] : i32 from vector<1xi32>
    %slice3A_371 = vector.extract_strided_slice %get3A_368 {offsets = [1], sizes = [1], strides = [1]} : vector<16xi32> to vector<1xi32>
    %squeeze3A_372 = vector.extract %slice3A_371[0] : i32 from vector<1xi32>
    %max3A_373 = arith.maxsi %squeeze3A_370, %squeeze3A_372 : i32
    %slice3A_374 = vector.extract_strided_slice %get3A_368 {offsets = [2], sizes = [1], strides = [1]} : vector<16xi32> to vector<1xi32>
    %squeeze3A_375 = vector.extract %slice3A_374[0] : i32 from vector<1xi32>
    %max3A_376 = arith.maxsi %max3A_373, %squeeze3A_375 : i32
    %slice3A_377 = vector.extract_strided_slice %get3A_368 {offsets = [3], sizes = [1], strides = [1]} : vector<16xi32> to vector<1xi32>
    %squeeze3A_378 = vector.extract %slice3A_377[0] : i32 from vector<1xi32>
    %max3A_379 = arith.maxsi %max3A_376, %squeeze3A_378 : i32
    %slice3A_380 = vector.extract_strided_slice %get3A_368 {offsets = [4], sizes = [1], strides = [1]} : vector<16xi32> to vector<1xi32>
    %squeeze3A_381 = vector.extract %slice3A_380[0] : i32 from vector<1xi32>
    %max3A_382 = arith.maxsi %max3A_379, %squeeze3A_381 : i32
    %slice3A_383 = vector.extract_strided_slice %get3A_368 {offsets = [5], sizes = [1], strides = [1]} : vector<16xi32> to vector<1xi32>
    %squeeze3A_384 = vector.extract %slice3A_383[0] : i32 from vector<1xi32>
    %max3A_385 = arith.maxsi %max3A_382, %squeeze3A_384 : i32
    %slice3A_386 = vector.extract_strided_slice %get3A_368 {offsets = [6], sizes = [1], strides = [1]} : vector<16xi32> to vector<1xi32>
    %squeeze3A_387 = vector.extract %slice3A_386[0] : i32 from vector<1xi32>
    %max3A_388 = arith.maxsi %max3A_385, %squeeze3A_387 : i32
    %slice3A_389 = vector.extract_strided_slice %get3A_368 {offsets = [7], sizes = [1], strides = [1]} : vector<16xi32> to vector<1xi32>
    %squeeze3A_390 = vector.extract %slice3A_389[0] : i32 from vector<1xi32>
    %max3A_391 = arith.maxsi %max3A_388, %squeeze3A_390 : i32
    %slice3A_392 = vector.extract_strided_slice %get3A_368 {offsets = [8], sizes = [1], strides = [1]} : vector<16xi32> to vector<1xi32>
    %squeeze3A_393 = vector.extract %slice3A_392[0] : i32 from vector<1xi32>
    %max3A_394 = arith.maxsi %max3A_391, %squeeze3A_393 : i32
    %slice3A_395 = vector.extract_strided_slice %get3A_368 {offsets = [9], sizes = [1], strides = [1]} : vector<16xi32> to vector<1xi32>
    %squeeze3A_396 = vector.extract %slice3A_395[0] : i32 from vector<1xi32>
    %max3A_397 = arith.maxsi %max3A_394, %squeeze3A_396 : i32
    %slice3A_398 = vector.extract_strided_slice %get3A_368 {offsets = [10], sizes = [1], strides = [1]} : vector<16xi32> to vector<1xi32>
    %squeeze3A_399 = vector.extract %slice3A_398[0] : i32 from vector<1xi32>
    %max3A_400 = arith.maxsi %max3A_397, %squeeze3A_399 : i32
    %slice3A_401 = vector.extract_strided_slice %get3A_368 {offsets = [11], sizes = [1], strides = [1]} : vector<16xi32> to vector<1xi32>
    %squeeze3A_402 = vector.extract %slice3A_401[0] : i32 from vector<1xi32>
    %max3A_403 = arith.maxsi %max3A_400, %squeeze3A_402 : i32
    %slice3A_404 = vector.extract_strided_slice %get3A_368 {offsets = [12], sizes = [1], strides = [1]} : vector<16xi32> to vector<1xi32>
    %squeeze3A_405 = vector.extract %slice3A_404[0] : i32 from vector<1xi32>
    %max3A_406 = arith.maxsi %max3A_403, %squeeze3A_405 : i32
    %slice3A_407 = vector.extract_strided_slice %get3A_368 {offsets = [13], sizes = [1], strides = [1]} : vector<16xi32> to vector<1xi32>
    %squeeze3A_408 = vector.extract %slice3A_407[0] : i32 from vector<1xi32>
    %max3A_409 = arith.maxsi %max3A_406, %squeeze3A_408 : i32
    %slice3A_410 = vector.extract_strided_slice %get3A_368 {offsets = [14], sizes = [1], strides = [1]} : vector<16xi32> to vector<1xi32>
    %squeeze3A_411 = vector.extract %slice3A_410[0] : i32 from vector<1xi32>
    %max3A_412 = arith.maxsi %max3A_409, %squeeze3A_411 : i32
    %slice3A_413 = vector.extract_strided_slice %get3A_368 {offsets = [15], sizes = [1], strides = [1]} : vector<16xi32> to vector<1xi32>
    %squeeze3A_414 = vector.extract %slice3A_413[0] : i32 from vector<1xi32>
    %max3A_415 = arith.maxsi %max3A_412, %squeeze3A_414 : i32
    %add3A_416 = arith.constant 4 : i32
    %add3A_417 = arith.addi %mul3A_2, %add3A_416 : i32
    %mul3A_418 = arith.constant 2048 : i32
    %mul3A_419 = arith.muli %add3A_417, %mul3A_418 : i32
    %max3A_420 = arith.constant 0 : i32
    %max3A_421 = arith.maxsi %max3A_415, %max3A_420 : i32
    %add3A_422 = arith.addi %mul3A_419, %max3A_421 : i32
    %eq3A_423 = arith.constant 4 : i32
    %eq3A_424 = vector.broadcast %eq3A_423 : i32 to vector<16xi32>
    %eq3A_425 = arith.cmpi eq, %iota3A, %eq3A_424 : vector<16xi32>
    %broadcast_in_dim3A_426 = vector.broadcast %add3A_422 : i32 to vector<16xi32>
    %select_n3A_427 = arith.select %eq3A_425, %broadcast_in_dim3A_426, %select_n3A_363 : vector<16xi1>, vector<16xi32>
    %get3A_428 = arith.constant 5 : i32
    %get3A_429 = arith.index_cast %get3A_428 : i32 to index
    %get3A_430 = arith.constant 0 : index
    %get3A_431 = tpu.vector_load %arg6[%get3A_429, %get3A_430] {strides = array<i32>} : memref<8x16xi32, #tpu.memory_space<vmem>>, vector<1x16xi32>,
    %get3A_432 = vector.shape_cast %get3A_431 : vector<1x16xi32> to vector<16xi32>
    %slice3A_433 = vector.extract_strided_slice %get3A_432 {offsets = [0], sizes = [1], strides = [1]} : vector<16xi32> to vector<1xi32>
    %squeeze3A_434 = vector.extract %slice3A_433[0] : i32 from vector<1xi32>
    %slice3A_435 = vector.extract_strided_slice %get3A_432 {offsets = [1], sizes = [1], strides = [1]} : vector<16xi32> to vector<1xi32>
    %squeeze3A_436 = vector.extract %slice3A_435[0] : i32 from vector<1xi32>
    %max3A_437 = arith.maxsi %squeeze3A_434, %squeeze3A_436 : i32
    %slice3A_438 = vector.extract_strided_slice %get3A_432 {offsets = [2], sizes = [1], strides = [1]} : vector<16xi32> to vector<1xi32>
    %squeeze3A_439 = vector.extract %slice3A_438[0] : i32 from vector<1xi32>
    %max3A_440 = arith.maxsi %max3A_437, %squeeze3A_439 : i32
    %slice3A_441 = vector.extract_strided_slice %get3A_432 {offsets = [3], sizes = [1], strides = [1]} : vector<16xi32> to vector<1xi32>
    %squeeze3A_442 = vector.extract %slice3A_441[0] : i32 from vector<1xi32>
    %max3A_443 = arith.maxsi %max3A_440, %squeeze3A_442 : i32
    %slice3A_444 = vector.extract_strided_slice %get3A_432 {offsets = [4], sizes = [1], strides = [1]} : vector<16xi32> to vector<1xi32>
    %squeeze3A_445 = vector.extract %slice3A_444[0] : i32 from vector<1xi32>
    %max3A_446 = arith.maxsi %max3A_443, %squeeze3A_445 : i32
    %slice3A_447 = vector.extract_strided_slice %get3A_432 {offsets = [5], sizes = [1], strides = [1]} : vector<16xi32> to vector<1xi32>
    %squeeze3A_448 = vector.extract %slice3A_447[0] : i32 from vector<1xi32>
    %max3A_449 = arith.maxsi %max3A_446, %squeeze3A_448 : i32
    %slice3A_450 = vector.extract_strided_slice %get3A_432 {offsets = [6], sizes = [1], strides = [1]} : vector<16xi32> to vector<1xi32>
    %squeeze3A_451 = vector.extract %slice3A_450[0] : i32 from vector<1xi32>
    %max3A_452 = arith.maxsi %max3A_449, %squeeze3A_451 : i32
    %slice3A_453 = vector.extract_strided_slice %get3A_432 {offsets = [7], sizes = [1], strides = [1]} : vector<16xi32> to vector<1xi32>
    %squeeze3A_454 = vector.extract %slice3A_453[0] : i32 from vector<1xi32>
    %max3A_455 = arith.maxsi %max3A_452, %squeeze3A_454 : i32
    %slice3A_456 = vector.extract_strided_slice %get3A_432 {offsets = [8], sizes = [1], strides = [1]} : vector<16xi32> to vector<1xi32>
    %squeeze3A_457 = vector.extract %slice3A_456[0] : i32 from vector<1xi32>
    %max3A_458 = arith.maxsi %max3A_455, %squeeze3A_457 : i32
    %slice3A_459 = vector.extract_strided_slice %get3A_432 {offsets = [9], sizes = [1], strides = [1]} : vector<16xi32> to vector<1xi32>
    %squeeze3A_460 = vector.extract %slice3A_459[0] : i32 from vector<1xi32>
    %max3A_461 = arith.maxsi %max3A_458, %squeeze3A_460 : i32
    %slice3A_462 = vector.extract_strided_slice %get3A_432 {offsets = [10], sizes = [1], strides = [1]} : vector<16xi32> to vector<1xi32>
    %squeeze3A_463 = vector.extract %slice3A_462[0] : i32 from vector<1xi32>
    %max3A_464 = arith.maxsi %max3A_461, %squeeze3A_463 : i32
    %slice3A_465 = vector.extract_strided_slice %get3A_432 {offsets = [11], sizes = [1], strides = [1]} : vector<16xi32> to vector<1xi32>
    %squeeze3A_466 = vector.extract %slice3A_465[0] : i32 from vector<1xi32>
    %max3A_467 = arith.maxsi %max3A_464, %squeeze3A_466 : i32
    %slice3A_468 = vector.extract_strided_slice %get3A_432 {offsets = [12], sizes = [1], strides = [1]} : vector<16xi32> to vector<1xi32>
    %squeeze3A_469 = vector.extract %slice3A_468[0] : i32 from vector<1xi32>
    %max3A_470 = arith.maxsi %max3A_467, %squeeze3A_469 : i32
    %slice3A_471 = vector.extract_strided_slice %get3A_432 {offsets = [13], sizes = [1], strides = [1]} : vector<16xi32> to vector<1xi32>
    %squeeze3A_472 = vector.extract %slice3A_471[0] : i32 from vector<1xi32>
    %max3A_473 = arith.maxsi %max3A_470, %squeeze3A_472 : i32
    %slice3A_474 = vector.extract_strided_slice %get3A_432 {offsets = [14], sizes = [1], strides = [1]} : vector<16xi32> to vector<1xi32>
    %squeeze3A_475 = vector.extract %slice3A_474[0] : i32 from vector<1xi32>
    %max3A_476 = arith.maxsi %max3A_473, %squeeze3A_475 : i32
    %slice3A_477 = vector.extract_strided_slice %get3A_432 {offsets = [15], sizes = [1], strides = [1]} : vector<16xi32> to vector<1xi32>
    %squeeze3A_478 = vector.extract %slice3A_477[0] : i32 from vector<1xi32>
    %max3A_479 = arith.maxsi %max3A_476, %squeeze3A_478 : i32
    %add3A_480 = arith.constant 5 : i32
    %add3A_481 = arith.addi %mul3A_2, %add3A_480 : i32
    %mul3A_482 = arith.constant 2048 : i32
    %mul3A_483 = arith.muli %add3A_481, %mul3A_482 : i32
    %max3A_484 = arith.constant 0 : i32
    %max3A_485 = arith.maxsi %max3A_479, %max3A_484 : i32
    %add3A_486 = arith.addi %mul3A_483, %max3A_485 : i32
    %eq3A_487 = arith.constant 5 : i32
    %eq3A_488 = vector.broadcast %eq3A_487 : i32 to vector<16xi32>
    %eq3A_489 = arith.cmpi eq, %iota3A, %eq3A_488 : vector<16xi32>
    %broadcast_in_dim3A_490 = vector.broadcast %add3A_486 : i32 to vector<16xi32>
    %select_n3A_491 = arith.select %eq3A_489, %broadcast_in_dim3A_490, %select_n3A_427 : vector<16xi1>, vector<16xi32>
    %get3A_492 = arith.constant 6 : i32
    %get3A_493 = arith.index_cast %get3A_492 : i32 to index
    %get3A_494 = arith.constant 0 : index
    %get3A_495 = tpu.vector_load %arg6[%get3A_493, %get3A_494] {strides = array<i32>} : memref<8x16xi32, #tpu.memory_space<vmem>>, vector<1x16xi32>,
    %get3A_496 = vector.shape_cast %get3A_495 : vector<1x16xi32> to vector<16xi32>
    %slice3A_497 = vector.extract_strided_slice %get3A_496 {offsets = [0], sizes = [1], strides = [1]} : vector<16xi32> to vector<1xi32>
    %squeeze3A_498 = vector.extract %slice3A_497[0] : i32 from vector<1xi32>
    %slice3A_499 = vector.extract_strided_slice %get3A_496 {offsets = [1], sizes = [1], strides = [1]} : vector<16xi32> to vector<1xi32>
    %squeeze3A_500 = vector.extract %slice3A_499[0] : i32 from vector<1xi32>
    %max3A_501 = arith.maxsi %squeeze3A_498, %squeeze3A_500 : i32
    %slice3A_502 = vector.extract_strided_slice %get3A_496 {offsets = [2], sizes = [1], strides = [1]} : vector<16xi32> to vector<1xi32>
    %squeeze3A_503 = vector.extract %slice3A_502[0] : i32 from vector<1xi32>
    %max3A_504 = arith.maxsi %max3A_501, %squeeze3A_503 : i32
    %slice3A_505 = vector.extract_strided_slice %get3A_496 {offsets = [3], sizes = [1], strides = [1]} : vector<16xi32> to vector<1xi32>
    %squeeze3A_506 = vector.extract %slice3A_505[0] : i32 from vector<1xi32>
    %max3A_507 = arith.maxsi %max3A_504, %squeeze3A_506 : i32
    %slice3A_508 = vector.extract_strided_slice %get3A_496 {offsets = [4], sizes = [1], strides = [1]} : vector<16xi32> to vector<1xi32>
    %squeeze3A_509 = vector.extract %slice3A_508[0] : i32 from vector<1xi32>
    %max3A_510 = arith.maxsi %max3A_507, %squeeze3A_509 : i32
    %slice3A_511 = vector.extract_strided_slice %get3A_496 {offsets = [5], sizes = [1], strides = [1]} : vector<16xi32> to vector<1xi32>
    %squeeze3A_512 = vector.extract %slice3A_511[0] : i32 from vector<1xi32>
    %max3A_513 = arith.maxsi %max3A_510, %squeeze3A_512 : i32
    %slice3A_514 = vector.extract_strided_slice %get3A_496 {offsets = [6], sizes = [1], strides = [1]} : vector<16xi32> to vector<1xi32>
    %squeeze3A_515 = vector.extract %slice3A_514[0] : i32 from vector<1xi32>
    %max3A_516 = arith.maxsi %max3A_513, %squeeze3A_515 : i32
    %slice3A_517 = vector.extract_strided_slice %get3A_496 {offsets = [7], sizes = [1], strides = [1]} : vector<16xi32> to vector<1xi32>
    %squeeze3A_518 = vector.extract %slice3A_517[0] : i32 from vector<1xi32>
    %max3A_519 = arith.maxsi %max3A_516, %squeeze3A_518 : i32
    %slice3A_520 = vector.extract_strided_slice %get3A_496 {offsets = [8], sizes = [1], strides = [1]} : vector<16xi32> to vector<1xi32>
    %squeeze3A_521 = vector.extract %slice3A_520[0] : i32 from vector<1xi32>
    %max3A_522 = arith.maxsi %max3A_519, %squeeze3A_521 : i32
    %slice3A_523 = vector.extract_strided_slice %get3A_496 {offsets = [9], sizes = [1], strides = [1]} : vector<16xi32> to vector<1xi32>
    %squeeze3A_524 = vector.extract %slice3A_523[0] : i32 from vector<1xi32>
    %max3A_525 = arith.maxsi %max3A_522, %squeeze3A_524 : i32
    %slice3A_526 = vector.extract_strided_slice %get3A_496 {offsets = [10], sizes = [1], strides = [1]} : vector<16xi32> to vector<1xi32>
    %squeeze3A_527 = vector.extract %slice3A_526[0] : i32 from vector<1xi32>
    %max3A_528 = arith.maxsi %max3A_525, %squeeze3A_527 : i32
    %slice3A_529 = vector.extract_strided_slice %get3A_496 {offsets = [11], sizes = [1], strides = [1]} : vector<16xi32> to vector<1xi32>
    %squeeze3A_530 = vector.extract %slice3A_529[0] : i32 from vector<1xi32>
    %max3A_531 = arith.maxsi %max3A_528, %squeeze3A_530 : i32
    %slice3A_532 = vector.extract_strided_slice %get3A_496 {offsets = [12], sizes = [1], strides = [1]} : vector<16xi32> to vector<1xi32>
    %squeeze3A_533 = vector.extract %slice3A_532[0] : i32 from vector<1xi32>
    %max3A_534 = arith.maxsi %max3A_531, %squeeze3A_533 : i32
    %slice3A_535 = vector.extract_strided_slice %get3A_496 {offsets = [13], sizes = [1], strides = [1]} : vector<16xi32> to vector<1xi32>
    %squeeze3A_536 = vector.extract %slice3A_535[0] : i32 from vector<1xi32>
    %max3A_537 = arith.maxsi %max3A_534, %squeeze3A_536 : i32
    %slice3A_538 = vector.extract_strided_slice %get3A_496 {offsets = [14], sizes = [1], strides = [1]} : vector<16xi32> to vector<1xi32>
    %squeeze3A_539 = vector.extract %slice3A_538[0] : i32 from vector<1xi32>
    %max3A_540 = arith.maxsi %max3A_537, %squeeze3A_539 : i32
    %slice3A_541 = vector.extract_strided_slice %get3A_496 {offsets = [15], sizes = [1], strides = [1]} : vector<16xi32> to vector<1xi32>
    %squeeze3A_542 = vector.extract %slice3A_541[0] : i32 from vector<1xi32>
    %max3A_543 = arith.maxsi %max3A_540, %squeeze3A_542 : i32
    %add3A_544 = arith.constant 6 : i32
    %add3A_545 = arith.addi %mul3A_2, %add3A_544 : i32
    %mul3A_546 = arith.constant 2048 : i32
    %mul3A_547 = arith.muli %add3A_545, %mul3A_546 : i32
    %max3A_548 = arith.constant 0 : i32
    %max3A_549 = arith.maxsi %max3A_543, %max3A_548 : i32
    %add3A_550 = arith.addi %mul3A_547, %max3A_549 : i32
    %eq3A_551 = arith.constant 6 : i32
    %eq3A_552 = vector.broadcast %eq3A_551 : i32 to vector<16xi32>
    %eq3A_553 = arith.cmpi eq, %iota3A, %eq3A_552 : vector<16xi32>
    %broadcast_in_dim3A_554 = vector.broadcast %add3A_550 : i32 to vector<16xi32>
    %select_n3A_555 = arith.select %eq3A_553, %broadcast_in_dim3A_554, %select_n3A_491 : vector<16xi1>, vector<16xi32>
    %get3A_556 = arith.constant 7 : i32
    %get3A_557 = arith.index_cast %get3A_556 : i32 to index
    %get3A_558 = arith.constant 0 : index
    %get3A_559 = tpu.vector_load %arg6[%get3A_557, %get3A_558] {strides = array<i32>} : memref<8x16xi32, #tpu.memory_space<vmem>>, vector<1x16xi32>,
    %get3A_560 = vector.shape_cast %get3A_559 : vector<1x16xi32> to vector<16xi32>
    %slice3A_561 = vector.extract_strided_slice %get3A_560 {offsets = [0], sizes = [1], strides = [1]} : vector<16xi32> to vector<1xi32>
    %squeeze3A_562 = vector.extract %slice3A_561[0] : i32 from vector<1xi32>
    %slice3A_563 = vector.extract_strided_slice %get3A_560 {offsets = [1], sizes = [1], strides = [1]} : vector<16xi32> to vector<1xi32>
    %squeeze3A_564 = vector.extract %slice3A_563[0] : i32 from vector<1xi32>
    %max3A_565 = arith.maxsi %squeeze3A_562, %squeeze3A_564 : i32
    %slice3A_566 = vector.extract_strided_slice %get3A_560 {offsets = [2], sizes = [1], strides = [1]} : vector<16xi32> to vector<1xi32>
    %squeeze3A_567 = vector.extract %slice3A_566[0] : i32 from vector<1xi32>
    %max3A_568 = arith.maxsi %max3A_565, %squeeze3A_567 : i32
    %slice3A_569 = vector.extract_strided_slice %get3A_560 {offsets = [3], sizes = [1], strides = [1]} : vector<16xi32> to vector<1xi32>
    %squeeze3A_570 = vector.extract %slice3A_569[0] : i32 from vector<1xi32>
    %max3A_571 = arith.maxsi %max3A_568, %squeeze3A_570 : i32
    %slice3A_572 = vector.extract_strided_slice %get3A_560 {offsets = [4], sizes = [1], strides = [1]} : vector<16xi32> to vector<1xi32>
    %squeeze3A_573 = vector.extract %slice3A_572[0] : i32 from vector<1xi32>
    %max3A_574 = arith.maxsi %max3A_571, %squeeze3A_573 : i32
    %slice3A_575 = vector.extract_strided_slice %get3A_560 {offsets = [5], sizes = [1], strides = [1]} : vector<16xi32> to vector<1xi32>
    %squeeze3A_576 = vector.extract %slice3A_575[0] : i32 from vector<1xi32>
    %max3A_577 = arith.maxsi %max3A_574, %squeeze3A_576 : i32
    %slice3A_578 = vector.extract_strided_slice %get3A_560 {offsets = [6], sizes = [1], strides = [1]} : vector<16xi32> to vector<1xi32>
    %squeeze3A_579 = vector.extract %slice3A_578[0] : i32 from vector<1xi32>
    %max3A_580 = arith.maxsi %max3A_577, %squeeze3A_579 : i32
    %slice3A_581 = vector.extract_strided_slice %get3A_560 {offsets = [7], sizes = [1], strides = [1]} : vector<16xi32> to vector<1xi32>
    %squeeze3A_582 = vector.extract %slice3A_581[0] : i32 from vector<1xi32>
    %max3A_583 = arith.maxsi %max3A_580, %squeeze3A_582 : i32
    %slice3A_584 = vector.extract_strided_slice %get3A_560 {offsets = [8], sizes = [1], strides = [1]} : vector<16xi32> to vector<1xi32>
    %squeeze3A_585 = vector.extract %slice3A_584[0] : i32 from vector<1xi32>
    %max3A_586 = arith.maxsi %max3A_583, %squeeze3A_585 : i32
    %slice3A_587 = vector.extract_strided_slice %get3A_560 {offsets = [9], sizes = [1], strides = [1]} : vector<16xi32> to vector<1xi32>
    %squeeze3A_588 = vector.extract %slice3A_587[0] : i32 from vector<1xi32>
    %max3A_589 = arith.maxsi %max3A_586, %squeeze3A_588 : i32
    %slice3A_590 = vector.extract_strided_slice %get3A_560 {offsets = [10], sizes = [1], strides = [1]} : vector<16xi32> to vector<1xi32>
    %squeeze3A_591 = vector.extract %slice3A_590[0] : i32 from vector<1xi32>
    %max3A_592 = arith.maxsi %max3A_589, %squeeze3A_591 : i32
    %slice3A_593 = vector.extract_strided_slice %get3A_560 {offsets = [11], sizes = [1], strides = [1]} : vector<16xi32> to vector<1xi32>
    %squeeze3A_594 = vector.extract %slice3A_593[0] : i32 from vector<1xi32>
    %max3A_595 = arith.maxsi %max3A_592, %squeeze3A_594 : i32
    %slice3A_596 = vector.extract_strided_slice %get3A_560 {offsets = [12], sizes = [1], strides = [1]} : vector<16xi32> to vector<1xi32>
    %squeeze3A_597 = vector.extract %slice3A_596[0] : i32 from vector<1xi32>
    %max3A_598 = arith.maxsi %max3A_595, %squeeze3A_597 : i32
    %slice3A_599 = vector.extract_strided_slice %get3A_560 {offsets = [13], sizes = [1], strides = [1]} : vector<16xi32> to vector<1xi32>
    %squeeze3A_600 = vector.extract %slice3A_599[0] : i32 from vector<1xi32>
    %max3A_601 = arith.maxsi %max3A_598, %squeeze3A_600 : i32
    %slice3A_602 = vector.extract_strided_slice %get3A_560 {offsets = [14], sizes = [1], strides = [1]} : vector<16xi32> to vector<1xi32>
    %squeeze3A_603 = vector.extract %slice3A_602[0] : i32 from vector<1xi32>
    %max3A_604 = arith.maxsi %max3A_601, %squeeze3A_603 : i32
    %slice3A_605 = vector.extract_strided_slice %get3A_560 {offsets = [15], sizes = [1], strides = [1]} : vector<16xi32> to vector<1xi32>
    %squeeze3A_606 = vector.extract %slice3A_605[0] : i32 from vector<1xi32>
    %max3A_607 = arith.maxsi %max3A_604, %squeeze3A_606 : i32
    %add3A_608 = arith.constant 7 : i32
    %add3A_609 = arith.addi %mul3A_2, %add3A_608 : i32
    %mul3A_610 = arith.constant 2048 : i32
    %mul3A_611 = arith.muli %add3A_609, %mul3A_610 : i32
    %max3A_612 = arith.constant 0 : i32
    %max3A_613 = arith.maxsi %max3A_607, %max3A_612 : i32
    %add3A_614 = arith.addi %mul3A_611, %max3A_613 : i32
    %eq3A_615 = arith.constant 7 : i32
    %eq3A_616 = vector.broadcast %eq3A_615 : i32 to vector<16xi32>
    %eq3A_617 = arith.cmpi eq, %iota3A, %eq3A_616 : vector<16xi32>
    %broadcast_in_dim3A_618 = vector.broadcast %add3A_614 : i32 to vector<16xi32>
    %select_n3A_619 = arith.select %eq3A_617, %broadcast_in_dim3A_618, %select_n3A_555 : vector<16xi1>, vector<16xi32>
    %swap3A_620 = arith.constant 0 : index
    %swap3A_621 = tpu.vector_load %arg7[%swap3A_620] {strides = array<i32>} : memref<16xi32, #tpu.memory_space<vmem>>, vector<16xi32>,
    %swap3A_622 = vector.shape_cast %swap3A_621 : vector<16xi32> to vector<16xi32>
    %swap3A_623 = vector.shape_cast %select_n3A_619 : vector<16xi32> to vector<16xi32>
    tpu.vector_store %arg7[%swap3A_620], %swap3A_623 {strides = array<i32>} : memref<16xi32, #tpu.memory_space<vmem>>, vector<16xi32>,
    %dma_start3A = arith.constant 0 : i32
    %dma_start3A_624 = arith.constant 0 : i32
    %dma_start3A_625 = tpu.memref_slice %arg3[%dma_start3A, %dma_start3A_624] : memref<524288x128xf32, #tpu.memory_space<hbm>> -> memref<524288x128xf32, #tpu.memory_space<hbm>>
    tpu.enqueue_indirect_dma source(%dma_start3A_625 : memref<524288x128xf32, #tpu.memory_space<hbm>>) target(%arg8 : memref<16x128xf32, #tpu.memory_space<vmem>>) offsets(%arg7 : memref<16xi32, #tpu.memory_space<vmem>>) semaphore(%arg9 : memref<!tpu.dma_semaphore, #tpu.memory_space<semaphore_mem>>)
    %dma_wait3A = arith.constant 0 : i32
    %dma_wait3A_626 = arith.constant 0 : i32
    %dma_wait3A_627 = tpu.memref_slice %arg3[%dma_wait3A, %dma_wait3A_626] : memref<524288x128xf32, #tpu.memory_space<hbm>> -> memref<524288x128xf32, #tpu.memory_space<hbm>>
    tpu.wait_indirect_dma semaphore(%arg9 : memref<!tpu.dma_semaphore, #tpu.memory_space<semaphore_mem>>) src(%dma_wait3A_627 : memref<524288x128xf32, #tpu.memory_space<hbm>>) dst(%arg8 : memref<16x128xf32, #tpu.memory_space<vmem>>)
    "tpu.region"() ({
      %run_scoped3A = tpu.sem_alloc : memref<!tpu.dma_semaphore, #tpu.memory_space<semaphore_mem>>
      %dma_start3A_628 = arith.constant 0 : i32
      %dma_start3A_629 = arith.constant 0 : i32
      %dma_start3A_630 = tpu.memref_slice %arg8[%dma_start3A_628, %dma_start3A_629] : memref<16x128xf32, #tpu.memory_space<vmem>> -> memref<8x128xf32, #tpu.memory_space<vmem>>
      %dma_start3A_631 = arith.constant 0 : i32
      %dma_start3A_632 = tpu.memref_slice %arg4[%mul3A_2, %dma_start3A_631] : memref<256x128xf32, #tpu.memory_space<hbm>> -> memref<8x128xf32, #tpu.memory_space<hbm>>
      %dma_start3A_633 = arith.constant 0 : i32
      %dma_start3A_634 = tpu.memref_slice %arg4[%mul3A_2, %dma_start3A_633] : memref<256x128xf32, #tpu.memory_space<hbm>> -> memref<8x128xf32, #tpu.memory_space<hbm>>
      %dma_start3A_635 = arith.constant 0 : i32
      %dma_start3A_636 = arith.constant 0 : i32
      %dma_start3A_637 = tpu.memref_slice %arg8[%dma_start3A_635, %dma_start3A_636] : memref<16x128xf32, #tpu.memory_space<vmem>> -> memref<8x128xf32, #tpu.memory_space<vmem>>
      tpu.enqueue_dma source(%dma_start3A_637 : memref<8x128xf32, #tpu.memory_space<vmem>>) target(%dma_start3A_634 : memref<8x128xf32, #tpu.memory_space<hbm>>) target_semaphore(%run_scoped3A : memref<!tpu.dma_semaphore, #tpu.memory_space<semaphore_mem>>)
      %dma_wait3A_638 = arith.constant 0 : i32
      %dma_wait3A_639 = arith.constant 0 : i32
      %dma_wait3A_640 = tpu.memref_slice %arg8[%dma_wait3A_638, %dma_wait3A_639] : memref<16x128xf32, #tpu.memory_space<vmem>> -> memref<8x128xf32, #tpu.memory_space<vmem>>
      %dma_wait3A_641 = arith.constant 0 : i32
      %dma_wait3A_642 = tpu.memref_slice %arg4[%mul3A_2, %dma_wait3A_641] : memref<256x128xf32, #tpu.memory_space<hbm>> -> memref<8x128xf32, #tpu.memory_space<hbm>>
      %dma_wait3A_643 = arith.constant 0 : i32
      %dma_wait3A_644 = tpu.memref_slice %arg4[%mul3A_2, %dma_wait3A_643] : memref<256x128xf32, #tpu.memory_space<hbm>> -> memref<8x128xf32, #tpu.memory_space<hbm>>
      %dma_wait3A_645 = arith.constant 0 : i32
      %dma_wait3A_646 = arith.constant 0 : i32
      %dma_wait3A_647 = tpu.memref_slice %arg8[%dma_wait3A_645, %dma_wait3A_646] : memref<16x128xf32, #tpu.memory_space<vmem>> -> memref<8x128xf32, #tpu.memory_space<vmem>>
      tpu.wait_dma2 semaphore(%run_scoped3A : memref<!tpu.dma_semaphore, #tpu.memory_space<semaphore_mem>>) src(%dma_wait3A_647 : memref<8x128xf32, #tpu.memory_space<vmem>>) dst(%dma_wait3A_644 : memref<8x128xf32, #tpu.memory_space<hbm>>)
      tpu.yield
    }) : () -> ()
    return
  }
}

module attributes {stable_mosaic.version = 14 : i64} {
  func.func @_broadcast_kernel(%arg0: i32, %arg1: memref<4x1x128xf32, #tpu.memory_space<vmem>>, %arg2: memref<4x2048x128xf32, #tpu.memory_space<vmem>>) attributes {dimension_semantics = [#tpu.dimension_semantics<arbitrary>], iteration_bounds = array<i64: 64>, scalar_prefetch = 0 : i64, scratch_operands = 0 : i64, tpu.core_type = #tpu.core_type<tc>, window_params = [{transform_indices = @transform_0, window_bounds = array<i64: 4, 1, 128>}, {transform_indices = @transform_1, window_bounds = array<i64: 4, 2048, 128>}]} {
    %get3A = arith.constant 0 : index
    %get3A_0 = arith.constant 0 : index
    %get3A_1 = arith.constant 0 : index
    %get3A_2 = vector.load %arg1[%get3A, %get3A_0, %get3A_1] : memref<4x1x128xf32, #tpu.memory_space<vmem>>, vector<4x1x128xf32>
    %broadcast_in_dim3A = vector.shape_cast %get3A_2 : vector<4x1x128xf32> to vector<4x1x128xf32>
    %broadcast_in_dim3A_3 = vector.broadcast %broadcast_in_dim3A : vector<4x1x128xf32> to vector<4x2048x128xf32>
    %swap3A = arith.constant 0 : index
    %swap3A_4 = arith.constant 0 : index
    %swap3A_5 = arith.constant 0 : index
    %swap3A_6 = vector.load %arg2[%swap3A, %swap3A_4, %swap3A_5] : memref<4x2048x128xf32, #tpu.memory_space<vmem>>, vector<4x2048x128xf32>
    tpu.vector_store %arg2[%swap3A, %swap3A_4, %swap3A_5], %broadcast_in_dim3A_3 {strides = array<i32>} : memref<4x2048x128xf32, #tpu.memory_space<vmem>>, vector<4x2048x128xf32>,
    return
  }
  func.func @transform_0(%arg0: i32) -> (i32, i32, i32) {
    %c0_i32 = arith.constant 0 : i32
    %c0_i32_0 = arith.constant 0 : i32
    %c0_i32_1 = arith.constant 0 : i32
    return %arg0, %c0_i32, %c0_i32_0 : i32, i32, i32
  }
  func.func @transform_1(%arg0: i32) -> (i32, i32, i32) {
    %c0_i32 = arith.constant 0 : i32
    %c0_i32_0 = arith.constant 0 : i32
    %c0_i32_1 = arith.constant 0 : i32
    return %arg0, %c0_i32, %c0_i32_0 : i32, i32, i32
  }
}

</mosaic_0001>

<sc_bundles>
// kernel: kernel.4.cloned.1.call-start
scs
__scs_entry_jumppad:
0x0: {  	(pc) =	sbr.rel $0x88, $3  }
0x1: {  	(tag) =	ssettag $0x0;
	lr =	simm.s32 $0x1  }
0x2: {  	[smem:$0x3F9F] =	sst lr;
	_ =	strace $0xD0000000  }
0x3: {  	_ = 	snop  }
0x4: {  	_ = 	snop  }
0x5: {  	_ = 	snop  }
0x6: {  	_ = 	snop  }
0x7: {  	_ = 	snop  }
__scs_overlays_trampoline_lowered:
0x8: {  	[smem:$0x3FAE] =	sst s0  }
0x9: {  	[smem:$0x3FAF] =	sst s1  }
0xa: {  	[smem:$0x3FB0] =	sst s2  }
0xb: {  	[smem:$0x3FB1] =	sst s3  }
0xc: {  	[smem:$0x3FB2] =	sst s4  }
0xd: {  	[smem:$0x3FB3] =	sst s5  }
0xe: {  	[smem:$0x3FB4] =	sst s6  }
0xf: {  	[smem:$0x3FB5] =	sst s7  }
0x10: {  	[smem:$0x3FB6] =	sst s8  }
0x11: {  	[smem:$0x3FB7] =	sst s9;
	s0 =	simm.s32 @!p0 $0x0  }
0x12: {  	s1 =	sld [smem:$0x3F9D];
	s0 =	simm.s32 @p0 $0x1  }
0x13: {  	[smem:$0x3FB8] =	sst s0;
	s0 =	simm.s32 @!p1 $0x0  }
0x14: {  	s2 =	sld [smem:$0x3F9C];
	s0 =	simm.s32 @p1 $0x1  }
0x15: {  	[smem:$0x3FB9] =	sst s0;
	s0 =	simm.s32 @!p2 $0x0  }
0x16: {  	s3 =	sld [smem:$0x3FDB];
	s0 =	simm.s32 @p2 $0x1  }
0x17: {  	s4 =	simm.s32 $0x1BF5;
	[smem:$0x3FBB] =	sst s0  }
0x18: {  	s0 =	sld [smem:$0x3F9E];
	_ =	swait.ge [sflag:s4], $0x0  }
0x19: {  	s7 =	sld [smem:$0x3F9F]  }
0x1a: {  	s8 =	sadd.s32 $0xFFFFE003, lr  }
0x1b: {  	s9 =	sadd.s32 $0xFFFFFEF7, lr;
	s5 =	simm.s32 $0xFFFFFFFF;
	p2 =	slt.u32 s8, $0xFFFFF086  }
0x1c: {  	p1 =	slt.u32 s9, $0xF7A;
	s5 =	simm.s32 @!p2 $0x0  }
0x1d: {  	s5 =	simm.s32 @p1 $0x1;
	p0 =	seq.s32 s7, s2  }
0x1e: {  	s7 =	smul.u32 @!p0 $0xF7A, s2;
	p2 =	seq.s32 @!p0 s5, $0x0  }
0x1f: {  	s9 =	smul.u32 $0xF7A, s1;
	s8 =	simm.s32 @!p0 $0x1BF5;
	p2 =	por !p2, p0  }
0x20: {  	[sflag:s8] =	ssyncset.s32 @!p0 $0xFFFFF086;
	s6 =	sadd.s32 @!p0 s3, s7;
	s7 =	simm.s32 @!p0 $0x108  }
0x21: {  	s3 =	sadd.s32 s3, s9;
	s6 =	sadd.s32 @!p0 $0x88, s6;
	s7 =	simm.s32 @p2 $0x1082  }
0x22: {  	[simem:s7], [sflag:s8] =	dma.local @!p0 [hbm:s6], $0xF7A  }
0x23: {  	s9 =	sor.u32 $0xD0000000, s2;
	s6 =	simm.s32 $0x108;
	_ =	swait.ge @!p0 [sflag:s8], $0x0  }
0x24: {  	s3 =	sadd.s32 $0x88, s3;
	s6 =	simm.s32 @!p1 $0x1082;
	[sflag:s4] =	ssyncset.s32 $0xFFFFF086  }
0x25: {  	[simem:s6], [sflag:s4] =	dma.local [hbm:s3], $0xF7A  }
0x26: {  	[smem:$0x3F9F] =	sst s1;
	(tag) =	ssettag s2;
	_ =	strace s9  }
0x27: {  	s1 =	sld [smem:$0x3FAF]  }
0x28: {  	s2 =	sld [smem:$0x3FB0]  }
0x29: {  	s4 =	sld [smem:$0x3FB2]  }
0x2a: {  	p0 =	seq.s32 s5, $0x0;
	s5 =	sld [smem:$0x3FB3]  }
0x2b: {  	s6 =	sld [smem:$0x3FB4]  }
0x2c: {  	s7 =	sld [smem:$0x3FB5]  }
0x2d: {  	s3 =	simm.s32 $0x108;
	s8 =	sld [smem:$0x3FB6]  }
0x2e: {  	s3 =	simm.s32 @!p0 $0x1082;
	s9 =	sld [smem:$0x3FB7]  }
0x2f: {  	lr =	sadd.s32 s0, s3;
	s0 =	sld [smem:$0x3FAE]  }
0x30: {  	s3 =	sld [smem:$0x3FB1]  }
0x31: {  	[smem:$0x3FBA] =	sst s10  }
0x32: {  	s10 =	sld [smem:$0x3FB8];
	_ =	sdelay $0x3  }
0x33: {  	p0 =	seq.s32 s10, $0x1;
	s10 =	sld [smem:$0x3FBA];
	_ =	sdelay $0x3  }
0x34: {  	[smem:$0x3FBA] =	sst s10  }
0x35: {  	s10 =	sld [smem:$0x3FB9];
	_ =	sdelay $0x3  }
0x36: {  	p1 =	seq.s32 s10, $0x1;
	s10 =	sld [smem:$0x3FBA];
	_ =	sdelay $0x3  }
0x37: {  	[smem:$0x3FBA] =	sst s10  }
0x38: {  	s10 =	sld [smem:$0x3FBB]  }
0x39: {  	_ = 	snop;
	(pc) =	sbr.ind lr, $3  }
0x3a: {  	_ = 	snop  }
0x3b: {  	_ = 	snop  }
0x3c: {  	p2 =	seq.s32 s10, $0x1;
	s10 =	sld [smem:$0x3FBA]  }
0x3d: {  	_ =	shalt  }
0x3e: {  	_ =	shalt  }
0x3f: {  	_ =	shalt  }
0x40: {  	_ =	shalt  }
0x41: {  	_ =	shalt  }
0x42: {  	_ =	shalt  }
0x43: {  	_ =	shalt  }
0x44: {  	_ =	shalt  }
0x45: {  	_ =	shalt  }
0x46: {  	_ =	shalt  }
0x47: {  	_ =	shalt  }
0x48: {  	_ =	shalt  }
0x49: {  	_ =	shalt  }
0x4a: {  	_ =	shalt  }
0x4b: {  	_ =	shalt  }
0x4c: {  	_ =	shalt  }
0x4d: {  	_ =	shalt  }
0x4e: {  	_ =	shalt  }
0x4f: {  	_ =	shalt  }
0x50: {  	_ =	shalt  }
0x51: {  	_ =	shalt  }
0x52: {  	_ =	shalt  }
0x53: {  	_ =	shalt  }
0x54: {  	_ =	shalt  }
0x55: {  	_ =	shalt  }
0x56: {  	_ =	shalt  }
0x57: {  	_ =	shalt  }
0x58: {  	_ =	shalt  }
0x59: {  	_ =	shalt  }
0x5a: {  	_ =	shalt  }
0x5b: {  	_ =	shalt  }
0x5c: {  	_ =	shalt  }
0x5d: {  	_ =	shalt  }
0x5e: {  	_ =	shalt  }
0x5f: {  	_ =	shalt  }
0x60: {  	_ =	shalt  }
0x61: {  	_ =	shalt  }
0x62: {  	_ =	shalt  }
0x63: {  	_ =	shalt  }
0x64: {  	_ =	shalt  }
0x65: {  	_ =	shalt  }
0x66: {  	_ =	shalt  }
0x67: {  	_ =	shalt  }
0x68: {  	_ =	shalt  }
0x69: {  	_ =	shalt  }
0x6a: {  	_ =	shalt  }
0x6b: {  	_ =	shalt  }
0x6c: {  	_ =	shalt  }
0x6d: {  	_ =	shalt  }
0x6e: {  	_ =	shalt  }
0x6f: {  	_ =	shalt  }
0x70: {  	_ =	shalt  }
0x71: {  	_ =	shalt  }
0x72: {  	_ =	shalt  }
0x73: {  	_ =	shalt  }
0x74: {  	_ =	shalt  }
0x75: {  	_ =	shalt  }
0x76: {  	_ =	shalt  }
0x77: {  	_ =	shalt  }
0x78: {  	_ =	shalt  }
0x79: {  	_ =	shalt  }
0x7a: {  	_ =	shalt  }
0x7b: {  	_ =	shalt  }
0x7c: {  	_ =	shalt  }
0x7d: {  	_ =	shalt  }
0x7e: {  	_ =	shalt  }
0x7f: {  	_ =	shalt  }
0x80: {  	_ =	shalt  }
0x81: {  	_ =	shalt  }
0x82: {  	_ =	shalt  }
0x83: {  	_ =	shalt  }
0x84: {  	_ =	shalt  }
0x85: {  	_ =	shalt  }
0x86: {  	_ =	shalt  }
0x87: {  	_ =	shalt  }
.Lfunc_end0:
.L_simem_size_0:
called_computation_lowered:
.L_overlay_start_0:
0x88: {  	s2 =	sld [smem:$0x3FD9]  }
0x89: {  	s3 =	sld [smem:$0x3FFE];
	_ =	sdelay $0x1  }
0x8a: {  	s1 =	srdreg.scid  }
0x8b: {  	s0 =	sand.u32 $0x1, s1  }
0x8c: {  	s17 =	sshll.u32 s0, $0xA;
	s2 =	sadd.s32 s3, s2  }
0x8d: {  	s2 =	sadd.s32 s2, s17  }
0x8e: {  	[smem:$0x3FC6] =	sst s2  }
0x8f: {  	_ = 	snop  }
0x90: {  	s2 =	sld [smem:$0x3FC9]  }
0x91: {  	s18 =	sld [smem:$0x3FD0];
	(tm) =	ssettm $0x1  }
0x92: {  	s4 =	sld [smem:$0x3FFB];
	_ =	sdelay $0x3  }
0x93: {  	_ =	strace s4  }
0x94: {  	s4 =	sld [smem:$0x3FFC];
	_ =	sdelay $0x3  }
0x95: {  	_ =	strace s4  }
0x96: {  	s4 =	sld [smem:$0x3FFD];
	_ =	sdelay $0x3  }
0x97: {  	_ =	strace s4  }
0x98: {  	_ =	strace $0x8FFFFFFF  }
0x99: {  	s19 =	sld [smem:$0x3FDB];
	_ =	sdelay $0x1  }
0x9a: {  	s5 =	simm.s32 $_scs_section_size  }
0x9b: {  	s6 =	simm.s32 $_size__tile_overlayer_lowered;
	s7 =	simm.s32 $_tile_overlayer_lowered  }
0x9c: {  	s22 =	simm.s32 $0x1BFF;
	s21 =	sshll.u32 s7, $0x1;
	s4 =	sadd.s32 s5, s19  }
0x9d: {  	s8 =	simm.s32 $0x0;
	s20 =	sshll.u32 s6, $0x1;
	s6 =	sadd.s32 s21, s4  }
0x9e: {  	[timem:s8], [sflag:s22] =	dma.local [hbm:s6], s20  }
0x9f: {  	_ =	swait.ge [sflag:s22], s20  }
0xa0: {  	s5 =	ssub.s32 $0x0, s20;
	[sflag:s22] =	ssyncset.done $0x0  }
0xa1: {  	[sflag:s22] =	ssyncadd.s32 s5;
	_ =	sdelay $0x1  }
0xa2: {  	s23 =	simm.s32 $0x1B8B  }
0xa3: {  	_ =	swait.ge [sflag:s23], $0x1  }
0xa4: {  	[sflag:s23] =	ssyncset.done $0x0  }
0xa5: {  	s25 =	simm.s32 $0x1B8E;
	s24 =	sld [smem:$0x3FFE];
	[sflag:s23] =	ssyncadd.s32 $0xFFFFFFFF  }
0xa6: {  	s26 =	simm.s32 $execute0_lowered;
	[smem:$0x3FD2] =	sst s25  }
0xa7: {  	s6 =	sshll.u32 s26, $0x1;
	_ =	strace $0x80000046;
	[dreg:$0x1] =	wrdreg $0xFFFFFFFF  }
0xa8: {  	s28 =	simm.s32 $_size_execute0_lowered;
	s4 =	sadd.s32 s4, s6;
	[dreg:$0x0] =	wrdreg $0x0  }
0xa9: {  	s6 =	sshll.u32 s28, $0x1;
	[dreg:$0x2] =	wrdreg s4  }
0xaa: {  	[dreg:$0x3] =	wrdreg s6  }
0xab: {  	[dreg:$0x4] =	wrdreg $0xC0  }
0xac: {  	_ =	task [dreg:s8], $0x5FFFF  }
0xad: {  	[dreg:$0x1] =	wrdreg $0xFFFFFFFF  }
0xae: {  	[dreg:$0x0] =	wrdreg $0x60  }
0xaf: {  	[dreg:$0x2] =	wrdreg s18  }
0xb0: {  	[dreg:$0x3] =	wrdreg s2  }
0xb1: {  	[dreg:$0x4] =	wrdreg s24  }
0xb2: {  	[dreg:$0x5] =	wrdreg $0x9  }
0xb3: {  	_ =	task.clear_ibuf [dreg:s8], $0x6FFFF;
	_ =	strace $0x90000046  }
0xb4: {  	s29 =	simm.s32 $0x9;
	_ =	strace $0x80000048  }
0xb5: {  	_ =	swait.ge [sflag:s29], $0x1  }
0xb6: {  	[sflag:s29] =	ssyncadd.s32 $0xFFFFFFFF  }
0xb7: {  	_ =	strace $0x90000048  }
0xb8: {  	_ =	sfence  }
0xb9: {  	s30 =	sld [smem:$0x0];
	_ =	sdelay $0x2  }
0xba: {  	s31 =	sshll.u32 s1, $0xD;
	s1 =	sshrl.u32 s1, $0x2  }
0xbb: {  	s3 =	sand.u32 $0x4000, s31;
	s1 =	sadd.s32 s1, s30  }
0xbc: {  	s0 =	sor.u32 s3, s0;
	s1 =	sshll.u32 s1, $0x11  }
0xbd: {  	s0 =	sor.u32 s1, s0  }
0xbe: {  	s0 =	sadd.s32 $0x8F2B, s0  }
0xbf: {  	[sflag:s0] =	ssyncadd.remote.s32 $0x1  }
0xc0: {  	_ =	sfence.sel $0xFFFF  }
0xc1: {  	[dreg:$0x0] =	wrdreg $0xFFFFFFFF;
	(pc) =	sbr.abs _section_cstart, $3  }
0xc2: {  	[dreg:$0x1] =	wrdreg $0xFFFFFFFF  }
0xc3: {  	_ =	task.clear_ibuf [dreg:s8], $0x2FFFF;
	_ =	strace $0x9FFFFFFF  }
0xc4: {  	(tm) =	ssettm $0x7FFFFFFF  }
0xc5: {  	_ =	shalt  }
tec
execute0_lowered:
.L_overlay_start_1:
0x0: {  	(tag) =	ssettag $0x1  }
0x1: {  	s0 =	rddreg [dreg:$0x0]  }
0x2: {  	s1 =	rddreg [dreg:$0x2]  }
0x3: {  	s2 =	srdreg.scid;
	s3 =	stileid.u32  }
0x4: {  	s6 =	simm.s32 $0x0;
	s2 =	sand.u32 $0x1, s2;
	s3 =	sshll.u32 s3, $0x1  }
0x5: {  	[smem:$0x7FF] =	sst s6;
	s3 =	sor.u32 s2, s3  }
0x6: {  	s4 =	sshll.u32 s3, $0x7;
	s5 =	sshll.u32 s3, $0xB;
	s3 =	sshll.u32 s3, $0xE  }
0x7: {  	_ =	strace $0x80000047;
	s0 =	sadd.s32 s0, s5;
	[dreg:$0x4] =	wrdreg s3  }
0x8: {  	s22 =	sor.u32 $0x800, s3;
	[dreg:$0x5] =	wrdreg s0  }
0x9: {  	s23 =	sor.u32 $0x1000, s3;
	[dreg:$0x6] =	wrdreg s22  }
0xa: {  	s24 =	sor.u32 $0x1800, s3;
	[dreg:$0x7] =	wrdreg s23  }
0xb: {  	s25 =	sor.u32 $0x2000, s3;
	[dreg:$0x8] =	wrdreg s24  }
0xc: {  	s2 =	ssub.s32 $0x2, s2;
	s26 =	sor.u32 $0x2800, s3;
	[dreg:$0x9] =	wrdreg s25  }
0xd: {  	s21 =	sshrl.u32 s2, $0x1;
	s28 =	sor.u32 $0x3000, s3;
	[dreg:$0xa] =	wrdreg s26  }
0xe: {  	s1 =	sadd.s32 s4, s1;
	s29 =	sor.u32 $0x3800, s3;
	[dreg:$0xb] =	wrdreg s28  }
0xf: {  	v0 =	vlaneseq.u32;
	vm0 =	vcmask $0x300;
	vm1 =	vcmask $0x704;
	s2 =	ssub.s32 s2, s21;
	[dreg:$0xc] =	wrdreg s29;
	s30 =	sadd.s32 $0x600, s1  }
0x10: {  	vm2 =	vcmask $0xB08;
	vm3 =	vcmask $0xF0C;
	vm4 =	vcmask $0x1310;
	s31 =	smax.u32 s2, $0x1;
	[dreg:$0xd] =	wrdreg s30  }
0x11: {  	vm5 =	vcmask $0x1714;
	vm6 =	vcmask $0x1B18;
	vm7 =	vcmask $0x1F1C;
	s2 =	simm.s32 $0x2;
	s1 =	simm.s32 $0x0;
	[dreg:$0xe] =	wrdreg s31  }
.LBB2_1:
0x12: {  	[dreg:$0xf] =	wrdreg s1  }
0x13: {  	s0 =	rddreg [dreg:$0x5]  }
0x14: {  	[tilespmem:s6], [sflag:$0x2] =	stream.linear.gather [hbm4b:s0+s6], $0x4000, $0x38;
	[tilespmem:$0x4C80] =	vst v63  }
0x15: {  	_ =	swait.ge [sflag:s2], $0x4000  }
0x16: {  	s30 =	sand.u32 $0x70, s6;
	s31 =	sand.u32 $0x3C00, s6;
	[sflag:s2] =	ssyncset.done $0x0  }
0x17: {  	s1 =	sor.u32 s30, s31;
	[sflag:s2] =	ssyncadd.s32 $0xFFFFC000  }
0x18: {  	v2 =	vld [tilespmem:s1+$0x0]  }
0x19: {  	v1 =	vimm.s32 $0xFFFFFFFF;
	s0 =	simm.s32 $0x10;
	s2 =	simm.s32 $0x0;
	s1 =	simm.s32 $0x0  }
.LBB2_2:
0x1a: {  	s3 =	sand.u32 $0x70, s0  }
0x1b: {  	s1 =	sadd.s32 $0x80, s1;
	s4 =	smov.u32 s0;
	p0 =	sne.s32 s0, $0x7F0  }
.Ltmp0:
0x1c: {  	s0 =	sadd.s32 $0x10, s0;
	s5 =	sand.u32 $0x3C00, s1;
	(pc) =	sbr.rel @p0 .LBB2_2-.Ltmp0, $4  }
0x1d: {  	v3 =	vor.u32 s2, v0;
	s2 =	smov.u32 s4;
	s3 =	sor.u32 s3, s5;
	vm8 =	veq.s32 v2, $0x0  }
0x1e: {  	v2 =	vld [tilespmem:s3+$0x0];
	v3 =	vnsel vm8, $0xFFFFFFFF, v3  }
0x1f: {  	vm8 =	vgt.s32 v1, v3  }
0x20: {  	v1 =	vsel vm8, v1, v3  }
0x21: {  	_ =	sdelay $0x1  }
0x22: {  	v3 =	vor.u32 s2, v0;
	vm8 =	veq.s32 v2, $0x0  }
0x23: {  	v2 =	vnsel vm8, $0xFFFFFFFF, v3  }
0x24: {  	s0 =	simm.s32 $0x0;
	vm8 =	vgt.s32 v1, v2  }
0x25: {  	s1 =	sand.u32 $0x70, s0;
	s31 =	sand.u32 $0x3C00, s0;
	v8 =	vsel vm8, v1, v2  }
0x26: {  	s2 =	sor.u32 s1, s31;
	[tilespmem:$0x4000] =	vst v8  }
0x27: {  	v2 =	vld [tilespmem:s2+$0x80]  }
0x28: {  	s1 =	simm.s32 $0x10;
	v1 =	vimm.s32 $0xFFFFFFFF;
	s2 =	simm.s32 $0x0  }
.LBB2_4:
0x29: {  	s3 =	sand.u32 $0x70, s1  }
0x2a: {  	s0 =	sadd.s32 $0x80, s0;
	s4 =	smov.u32 s1;
	p0 =	sne.s32 s1, $0x7F0  }
.Ltmp1:
0x2b: {  	s1 =	sadd.s32 $0x10, s1;
	s5 =	sand.u32 $0x3C00, s0;
	(pc) =	sbr.rel @p0 .LBB2_4-.Ltmp1, $4  }
0x2c: {  	v3 =	vor.u32 s2, v0;
	s2 =	smov.u32 s4;
	s3 =	sor.u32 s3, s5;
	vm8 =	veq.s32 v2, $0x0  }
0x2d: {  	v2 =	vld [tilespmem:s3+$0x80];
	v3 =	vnsel vm8, $0xFFFFFFFF, v3  }
0x2e: {  	vm8 =	vgt.s32 v1, v3  }
0x2f: {  	v1 =	vsel vm8, v1, v3  }
0x30: {  	_ =	sdelay $0x1  }
0x31: {  	v3 =	vor.u32 s2, v0;
	vm8 =	veq.s32 v2, $0x0  }
0x32: {  	v2 =	vnsel vm8, $0xFFFFFFFF, v3  }
0x33: {  	s0 =	simm.s32 $0x0;
	vm8 =	vgt.s32 v1, v2  }
0x34: {  	s1 =	sand.u32 $0x70, s0;
	s31 =	sand.u32 $0x3C00, s0;
	v10 =	vsel vm8, v1, v2  }
0x35: {  	s2 =	sor.u32 s1, s31;
	[tilespmem:$0x4080] =	vst v10  }
0x36: {  	v2 =	vld [tilespmem:s2+$0x100]  }
0x37: {  	s1 =	simm.s32 $0x10;
	v1 =	vimm.s32 $0xFFFFFFFF;
	s2 =	simm.s32 $0x0  }
.LBB2_6:
0x38: {  	s3 =	sand.u32 $0x70, s1  }
0x39: {  	s0 =	sadd.s32 $0x80, s0;
	s4 =	smov.u32 s1;
	p0 =	sne.s32 s1, $0x7F0  }
.Ltmp2:
0x3a: {  	s1 =	sadd.s32 $0x10, s1;
	s5 =	sand.u32 $0x3C00, s0;
	(pc) =	sbr.rel @p0 .LBB2_6-.Ltmp2, $4  }
0x3b: {  	v3 =	vor.u32 s2, v0;
	s2 =	smov.u32 s4;
	s3 =	sor.u32 s3, s5;
	vm8 =	veq.s32 v2, $0x0  }
0x3c: {  	v2 =	vld [tilespmem:s3+$0x100];
	v3 =	vnsel vm8, $0xFFFFFFFF, v3  }
0x3d: {  	vm8 =	vgt.s32 v1, v3  }
0x3e: {  	v1 =	vsel vm8, v1, v3  }
0x3f: {  	_ =	sdelay $0x1  }
0x40: {  	v3 =	vor.u32 s2, v0;
	vm8 =	veq.s32 v2, $0x0  }
0x41: {  	v2 =	vnsel vm8, $0xFFFFFFFF, v3  }
0x42: {  	s0 =	simm.s32 $0x0;
	vm8 =	vgt.s32 v1, v2  }
0x43: {  	s1 =	sand.u32 $0x70, s0;
	s31 =	sand.u32 $0x3C00, s0;
	v9 =	vsel vm8, v1, v2  }
0x44: {  	s2 =	sor.u32 s1, s31;
	[tilespmem:$0x4100] =	vst v9  }
0x45: {  	v2 =	vld [tilespmem:s2+$0x180]  }
0x46: {  	s1 =	simm.s32 $0x10;
	v1 =	vimm.s32 $0xFFFFFFFF;
	s2 =	simm.s32 $0x0  }
.LBB2_8:
0x47: {  	s3 =	sand.u32 $0x70, s1  }
0x48: {  	s0 =	sadd.s32 $0x80, s0;
	s4 =	smov.u32 s1;
	p0 =	sne.s32 s1, $0x7F0  }
.Ltmp3:
0x49: {  	s1 =	sadd.s32 $0x10, s1;
	s5 =	sand.u32 $0x3C00, s0;
	(pc) =	sbr.rel @p0 .LBB2_8-.Ltmp3, $4  }
0x4a: {  	v3 =	vor.u32 s2, v0;
	s2 =	smov.u32 s4;
	s3 =	sor.u32 s3, s5;
	vm8 =	veq.s32 v2, $0x0  }
0x4b: {  	v2 =	vld [tilespmem:s3+$0x180];
	v3 =	vnsel vm8, $0xFFFFFFFF, v3  }
0x4c: {  	vm8 =	vgt.s32 v1, v3  }
0x4d: {  	v1 =	vsel vm8, v1, v3  }
0x4e: {  	_ =	sdelay $0x1  }
0x4f: {  	v3 =	vor.u32 s2, v0;
	vm8 =	veq.s32 v2, $0x0  }
0x50: {  	v2 =	vnsel vm8, $0xFFFFFFFF, v3  }
0x51: {  	s0 =	simm.s32 $0x0;
	vm8 =	vgt.s32 v1, v2  }
0x52: {  	s1 =	sand.u32 $0x70, s0;
	s31 =	sand.u32 $0x3C00, s0;
	v7 =	vsel vm8, v1, v2  }
0x53: {  	s2 =	sor.u32 s1, s31;
	[tilespmem:$0x4180] =	vst v7  }
0x54: {  	v2 =	vld [tilespmem:s2+$0x200]  }
0x55: {  	s1 =	simm.s32 $0x10;
	v1 =	vimm.s32 $0xFFFFFFFF;
	s2 =	simm.s32 $0x0  }
.LBB2_10:
0x56: {  	s3 =	sand.u32 $0x70, s1  }
0x57: {  	s0 =	sadd.s32 $0x80, s0;
	s4 =	smov.u32 s1;
	p0 =	sne.s32 s1, $0x7F0  }
.Ltmp4:
0x58: {  	s1 =	sadd.s32 $0x10, s1;
	s5 =	sand.u32 $0x3C00, s0;
	(pc) =	sbr.rel @p0 .LBB2_10-.Ltmp4, $4  }
0x59: {  	v3 =	vor.u32 s2, v0;
	s2 =	smov.u32 s4;
	s3 =	sor.u32 s3, s5;
	vm8 =	veq.s32 v2, $0x0  }
0x5a: {  	v2 =	vld [tilespmem:s3+$0x200];
	v3 =	vnsel vm8, $0xFFFFFFFF, v3  }
0x5b: {  	vm8 =	vgt.s32 v1, v3  }
0x5c: {  	v1 =	vsel vm8, v1, v3  }
0x5d: {  	_ =	sdelay $0x1  }
0x5e: {  	v3 =	vor.u32 s2, v0;
	vm8 =	veq.s32 v2, $0x0  }
0x5f: {  	v2 =	vnsel vm8, $0xFFFFFFFF, v3  }
0x60: {  	s0 =	simm.s32 $0x0;
	vm8 =	vgt.s32 v1, v2  }
0x61: {  	s1 =	sand.u32 $0x70, s0;
	s31 =	sand.u32 $0x3C00, s0;
	v6 =	vsel vm8, v1, v2  }
0x62: {  	s2 =	sor.u32 s1, s31;
	[tilespmem:$0x4200] =	vst v6  }
0x63: {  	v2 =	vld [tilespmem:s2+$0x280]  }
0x64: {  	s1 =	simm.s32 $0x10;
	v1 =	vimm.s32 $0xFFFFFFFF;
	s2 =	simm.s32 $0x0  }
.LBB2_12:
0x65: {  	s3 =	sand.u32 $0x70, s1  }
0x66: {  	s0 =	sadd.s32 $0x80, s0;
	s4 =	smov.u32 s1;
	p0 =	sne.s32 s1, $0x7F0  }
.Ltmp5:
0x67: {  	s1 =	sadd.s32 $0x10, s1;
	s5 =	sand.u32 $0x3C00, s0;
	(pc) =	sbr.rel @p0 .LBB2_12-.Ltmp5, $4  }
0x68: {  	v3 =	vor.u32 s2, v0;
	s2 =	smov.u32 s4;
	s3 =	sor.u32 s3, s5;
	vm8 =	veq.s32 v2, $0x0  }
0x69: {  	v2 =	vld [tilespmem:s3+$0x280];
	v3 =	vnsel vm8, $0xFFFFFFFF, v3  }
0x6a: {  	vm8 =	vgt.s32 v1, v3  }
0x6b: {  	v1 =	vsel vm8, v1, v3  }
0x6c: {  	_ =	sdelay $0x1  }
0x6d: {  	v3 =	vor.u32 s2, v0;
	vm8 =	veq.s32 v2, $0x0  }
0x6e: {  	v2 =	vnsel vm8, $0xFFFFFFFF, v3  }
0x6f: {  	s0 =	simm.s32 $0x0;
	vm8 =	vgt.s32 v1, v2  }
0x70: {  	s1 =	sand.u32 $0x70, s0;
	s31 =	sand.u32 $0x3C00, s0;
	v3 =	vsel vm8, v1, v2  }
0x71: {  	s2 =	sor.u32 s1, s31;
	[tilespmem:$0x4280] =	vst v3  }
0x72: {  	v2 =	vld [tilespmem:s2+$0x300]  }
0x73: {  	s1 =	simm.s32 $0x10;
	v1 =	vimm.s32 $0xFFFFFFFF;
	s2 =	simm.s32 $0x0  }
.LBB2_14:
0x74: {  	s3 =	sand.u32 $0x70, s1  }
0x75: {  	s0 =	sadd.s32 $0x80, s0;
	s4 =	smov.u32 s1;
	p0 =	sne.s32 s1, $0x7F0  }
.Ltmp6:
0x76: {  	s1 =	sadd.s32 $0x10, s1;
	s5 =	sand.u32 $0x3C00, s0;
	(pc) =	sbr.rel @p0 .LBB2_14-.Ltmp6, $4  }
0x77: {  	v4 =	vor.u32 s2, v0;
	s2 =	smov.u32 s4;
	s3 =	sor.u32 s3, s5;
	vm8 =	veq.s32 v2, $0x0  }
0x78: {  	v2 =	vld [tilespmem:s3+$0x300];
	v4 =	vnsel vm8, $0xFFFFFFFF, v4  }
0x79: {  	vm8 =	vgt.s32 v1, v4  }
0x7a: {  	v1 =	vsel vm8, v1, v4  }
0x7b: {  	_ =	sdelay $0x1  }
0x7c: {  	v4 =	vor.u32 s2, v0;
	s0 =	simm.s32 $0x0;
	vm8 =	veq.s32 v2, $0x0  }
0x7d: {  	s1 =	sand.u32 $0x7, s0;
	v2 =	vnsel vm8, $0xFFFFFFFF, v4  }
0x7e: {  	s1 =	sshll.u32 s1, $0x4;
	vm8 =	vgt.s32 v1, v2  }
0x7f: {  	s1 =	sadd.s32 $0x0, s1;
	v1 =	vsel vm8, v1, v2  }
0x80: {  	s1 =	sor.u32 $0x380, s1;
	[tilespmem:$0x4300] =	vst v1  }
0x81: {  	v2 =	vld [tilespmem:s1+$0x0];
	_ =	sdelay $0x1  }
0x82: {  	s30 =	simm.s32 $0x1  }
0x83: {  	s1 =	sand.u32 $0x7, s30  }
0x84: {  	s1 =	sshll.u32 s1, $0x4  }
0x85: {  	v4 =	vor.u32 s0, v0;
	s1 =	sadd.s32 $0x80, s1;
	vm8 =	veq.s32 v2, $0x0  }
0x86: {  	s24 =	simm.s32 $0x10;
	s31 =	sor.u32 $0x380, s1;
	v2 =	vimm.s32 $0xFFFFFFFF;
	v5 =	vnsel vm8, $0xFFFFFFFF, v4  }
0x87: {  	s2 =	simm.s32 $0x2;
	s0 =	simm.s32 $0x20;
	s1 =	simm.s32 $0x80;
	v4 =	vld [tilespmem:s31+$0x0];
	vm8 =	vgt.s32 v2, v5  }
.LBB2_16:
0x88: {  	s3 =	sand.u32 $0x7, s2  }
0x89: {  	p0 =	sne.s32 s0, $0x7F0;
	v2 =	vsel vm8, v2, v5;
	s4 =	smov.u32 s0;
	s0 =	sadd.s32 $0x10, s0  }
.Ltmp7:
0x8a: {  	s1 =	sadd.s32 $0x80, s1;
	s3 =	sshll.u32 s3, $0x4;
	(pc) =	sbr.rel @p0 .LBB2_16-.Ltmp7, $4  }
0x8b: {  	s3 =	sadd.s32 s3, s1  }
0x8c: {  	v5 =	vor.u32 s24, v0;
	s24 =	smov.u32 s4;
	s3 =	sor.u32 $0x380, s3;
	vm8 =	veq.s32 v4, $0x0  }
0x8d: {  	v4 =	vld [tilespmem:s3+$0x0];
	v5 =	vnsel vm8, $0xFFFFFFFF, v5  }
0x8e: {  	s2 =	sadd.s32 $0x1, s2;
	vm8 =	vgt.s32 v2, v5  }
0x8f: {  	(v2sf) =	vpush v8, $0x0  }
0x90: {  	(v2sf) =	vpush v8, $0x1  }
0x91: {  	(v2sf) =	vpush v8, $0x2  }
0x92: {  	(v2sf) =	vpush v8, $0x3  }
0x93: {  	(v2sf) =	vpush v8, $0x4  }
0x94: {  	(v2sf) =	vpush v8, $0x5  }
0x95: {  	(v2sf) =	vpush v8, $0x6  }
0x96: {  	(v2sf) =	vpush v8, $0x7  }
0x97: {  	(v2sf) =	vpush v8, $0x8  }
0x98: {  	(v2sf) =	vpush v8, $0x9  }
0x99: {  	(v2sf) =	vpush v8, $0xA  }
0x9a: {  	(v2sf) =	vpush v8, $0xB  }
0x9b: {  	(v2sf) =	vpush v8, $0xC  }
0x9c: {  	(v2sf) =	vpush v8, $0xD  }
0x9d: {  	(v2sf) =	vpush v8, $0xE  }
0x9e: {  	s9 =	spop (v2sf);
	(v2sf) =	vpush v8, $0xF  }
0x9f: {  	s14 =	spop (v2sf);
	(v2sf) =	vpush v10, $0x0  }
0xa0: {  	s20 =	spop (v2sf);
	(v2sf) =	vpush v10, $0x1  }
0xa1: {  	s22 =	spop (v2sf);
	(v2sf) =	vpush v10, $0x2  }
0xa2: {  	s12 =	spop (v2sf);
	(v2sf) =	vpush v10, $0x3  }
0xa3: {  	s6 =	spop (v2sf);
	(v2sf) =	vpush v10, $0x4  }
0xa4: {  	s1 =	spop (v2sf);
	(v2sf) =	vpush v10, $0x5  }
0xa5: {  	s0 =	spop (v2sf);
	(v2sf) =	vpush v10, $0x6  }
0xa6: {  	s4 =	spop (v2sf);
	(v2sf) =	vpush v10, $0x7  }
0xa7: {  	s5 =	spop (v2sf);
	(v2sf) =	vpush v10, $0x8  }
0xa8: {  	p0 =	sgt.s32 s9, s14;
	s10 =	spop (v2sf);
	(v2sf) =	vpush v10, $0x9  }
0xa9: {  	s14 =	smov.u32 @p0 s9;
	s7 =	spop (v2sf);
	(v2sf) =	vpush v10, $0xA  }
0xaa: {  	p0 =	sgt.s32 s14, s20;
	s15 =	spop (v2sf);
	(v2sf) =	vpush v10, $0xB  }
0xab: {  	s20 =	smov.u32 @p0 s14;
	s3 =	spop (v2sf);
	(v2sf) =	vpush v10, $0xC  }
0xac: {  	p0 =	sgt.s32 s20, s22;
	s8 =	spop (v2sf);
	(v2sf) =	vpush v10, $0xD  }
0xad: {  	s22 =	smov.u32 @p0 s20;
	s2 =	spop (v2sf);
	(v2sf) =	vpush v10, $0xE  }
0xae: {  	p0 =	sgt.s32 s22, s12;
	s19 =	spop (v2sf);
	(v2sf) =	vpush v10, $0xF  }
0xaf: {  	s12 =	smov.u32 @p0 s22;
	s18 =	spop (v2sf);
	(v2sf) =	vpush v9, $0x0  }
0xb0: {  	p0 =	sgt.s32 s12, s6;
	s17 =	spop (v2sf);
	(v2sf) =	vpush v9, $0x1  }
0xb1: {  	s6 =	smov.u32 @p0 s12;
	s13 =	spop (v2sf);
	(v2sf) =	vpush v9, $0x2  }
0xb2: {  	p0 =	sgt.s32 s6, s1;
	s11 =	spop (v2sf);
	(v2sf) =	vpush v9, $0x3  }
0xb3: {  	s1 =	smov.u32 @p0 s6;
	[dreg:$0x10] =	wrdreg s2;
	s2 =	spop (v2sf);
	(v2sf) =	vpush v9, $0x4  }
0xb4: {  	p0 =	sgt.s32 s1, s0;
	s16 =	spop (v2sf);
	(v2sf) =	vpush v9, $0x5  }
0xb5: {  	s0 =	smov.u32 @p0 s1;
	s30 =	spop (v2sf);
	(v2sf) =	vpush v9, $0x6  }
0xb6: {  	p0 =	sgt.s32 s0, s4;
	s25 =	spop (v2sf);
	(v2sf) =	vpush v9, $0x7  }
0xb7: {  	s4 =	smov.u32 @p0 s0;
	s9 =	spop (v2sf);
	(v2sf) =	vpush v9, $0x8  }
0xb8: {  	p0 =	sgt.s32 s4, s5;
	s21 =	spop (v2sf);
	(v2sf) =	vpush v9, $0x9  }
0xb9: {  	s5 =	smov.u32 @p0 s4;
	s23 =	spop (v2sf);
	(v2sf) =	vpush v9, $0xA  }
0xba: {  	p0 =	sgt.s32 s5, s10;
	(v2sf) =	vpush v9, $0xB;
	s26 =	spop (v2sf)  }
0xbb: {  	s10 =	smov.u32 @p0 s5;
	(v2sf) =	vpush v9, $0xC;
	s28 =	spop (v2sf)  }
0xbc: {  	p0 =	sgt.s32 s10, s7;
	(v2sf) =	vpush v9, $0xD;
	s29 =	spop (v2sf)  }
0xbd: {  	s7 =	smov.u32 @p0 s10;
	(v2sf) =	vpush v9, $0xE;
	s31 =	spop (v2sf)  }
0xbe: {  	p0 =	sgt.s32 s7, s15;
	(v2sf) =	vpush v9, $0xF;
	s14 =	spop (v2sf)  }
0xbf: {  	s15 =	smov.u32 @p0 s7;
	(v2sf) =	vpush v7, $0x0;
	s20 =	spop (v2sf)  }
0xc0: {  	p0 =	sgt.s32 s19, s18;
	[dreg:$0x19] =	wrdreg s26;
	(v2sf) =	vpush v7, $0x1;
	s26 =	spop (v2sf)  }
0xc1: {  	s18 =	smov.u32 @p0 s19;
	[dreg:$0x11] =	wrdreg s31;
	(v2sf) =	vpush v7, $0x2;
	s31 =	spop (v2sf)  }
0xc2: {  	p0 =	sgt.s32 s15, s3;
	[dreg:$0x18] =	wrdreg s28;
	(v2sf) =	vpush v7, $0x3;
	s28 =	spop (v2sf)  }
0xc3: {  	s3 =	smov.u32 @p0 s15;
	(v2sf) =	vpush v7, $0x4;
	s0 =	spop (v2sf)  }
0xc4: {  	p0 =	sgt.s32 s18, s17;
	[dreg:$0x1a] =	wrdreg s23;
	(v2sf) =	vpush v7, $0x5;
	s1 =	spop (v2sf)  }
0xc5: {  	s17 =	smov.u32 @p0 s18;
	p0 =	sgt.s32 s3, s8;
	(v2sf) =	vpush v7, $0x6;
	s23 =	spop (v2sf)  }
0xc6: {  	s8 =	smov.u32 @p0 s3;
	p0 =	sgt.s32 s17, s13;
	(v2sf) =	vpush v7, $0x7;
	s4 =	spop (v2sf)  }
0xc7: {  	s3 =	rddreg [dreg:$0x10];
	s13 =	smov.u32 @p0 s17;
	(v2sf) =	vpush v7, $0x8;
	s5 =	spop (v2sf)  }
0xc8: {  	p0 =	sgt.s32 s8, s3;
	[dreg:$0x16] =	wrdreg s29;
	(v2sf) =	vpush v7, $0x9;
	s12 =	spop (v2sf)  }
0xc9: {  	s3 =	smov.u32 @p0 s8;
	[dreg:$0x1e] =	wrdreg s14;
	(v2sf) =	vpush v7, $0xA;
	s14 =	spop (v2sf)  }
0xca: {  	[dreg:$0x10] =	wrdreg s3;
	(v2sf) =	vpush v7, $0xB;
	s10 =	spop (v2sf)  }
0xcb: {  	p0 =	sgt.s32 s13, s11;
	s3 =	rddreg [dreg:$0x1e];
	(v2sf) =	vpush v7, $0xC;
	s22 =	spop (v2sf)  }
0xcc: {  	s11 =	smov.u32 @p0 s13;
	p0 =	sgt.s32 s3, s20;
	(v2sf) =	vpush v7, $0xD;
	s29 =	spop (v2sf)  }
0xcd: {  	s20 =	smov.u32 @p0 s3;
	p0 =	sgt.s32 s11, s2;
	(v2sf) =	vpush v7, $0xE;
	s15 =	spop (v2sf)  }
0xce: {  	s2 =	smov.u32 @p0 s11;
	p0 =	sgt.s32 s20, s26;
	s19 =	spop (v2sf)  }
0xcf: {  	s26 =	smov.u32 @p0 s20;
	s20 =	rddreg [dreg:$0x16];
	(v2sf) =	vpush v7, $0xF;
	s6 =	spop (v2sf)  }
0xd0: {  	[dreg:$0x12] =	wrdreg s15;
	s15 =	spop (v2sf)  }
0xd1: {  	p0 =	sgt.s32 s2, s16;
	[dreg:$0x1c] =	wrdreg s19;
	(v2sf) =	vpush v6, $0x0;
	s19 =	spop (v2sf)  }
0xd2: {  	s16 =	smov.u32 @p0 s2;
	p0 =	sgt.s32 s26, s31;
	(v2sf) =	vpush v6, $0x1;
	s18 =	spop (v2sf)  }
0xd3: {  	s31 =	smov.u32 @p0 s26;
	p0 =	sgt.s32 s16, s30;
	(v2sf) =	vpush v6, $0x2;
	s13 =	spop (v2sf)  }
0xd4: {  	s30 =	smov.u32 @p0 s16;
	p0 =	sgt.s32 s31, s28;
	(v2sf) =	vpush v6, $0x3;
	s11 =	spop (v2sf)  }
0xd5: {  	s28 =	smov.u32 @p0 s31;
	p0 =	sgt.s32 s30, s25;
	(v2sf) =	vpush v6, $0x4;
	s17 =	spop (v2sf)  }
0xd6: {  	s25 =	smov.u32 @p0 s30;
	p0 =	sgt.s32 s28, s0;
	s8 =	spop (v2sf)  }
0xd7: {  	s0 =	smov.u32 @p0 s28;
	p0 =	sgt.s32 s25, s9;
	(v2sf) =	vpush v6, $0x5;
	s26 =	spop (v2sf)  }
0xd8: {  	s9 =	smov.u32 @p0 s25;
	p0 =	sgt.s32 s0, s1;
	(v2sf) =	vpush v6, $0x6;
	s16 =	spop (v2sf)  }
0xd9: {  	s1 =	smov.u32 @p0 s0;
	p0 =	sgt.s32 s9, s21;
	(v2sf) =	vpush v6, $0x7;
	s31 =	spop (v2sf)  }
0xda: {  	s21 =	smov.u32 @p0 s9;
	p0 =	sgt.s32 s1, s23;
	(v2sf) =	vpush v6, $0x8;
	s30 =	spop (v2sf)  }
0xdb: {  	s2 =	rddreg [dreg:$0x1a];
	s23 =	smov.u32 @p0 s1;
	(v2sf) =	vpush v6, $0x9;
	s28 =	spop (v2sf)  }
0xdc: {  	p0 =	sgt.s32 s21, s2;
	(v2sf) =	vpush v6, $0xA;
	[dreg:$0x15] =	wrdreg s28;
	s3 =	spop (v2sf)  }
0xdd: {  	s2 =	smov.u32 @p0 s21;
	(v2sf) =	vpush v6, $0xB;
	[dreg:$0x14] =	wrdreg s3  }
0xde: {  	p0 =	sgt.s32 s23, s4;
	(v2sf) =	vpush v6, $0xC;
	s7 =	spop (v2sf);
	s3 =	rddreg [dreg:$0x19]  }
0xdf: {  	s4 =	smov.u32 @p0 s23;
	(v2sf) =	vpush v6, $0xD;
	[dreg:$0x13] =	wrdreg s7  }
0xe0: {  	(v2sf) =	vpush v6, $0xE;
	s28 =	spop (v2sf);
	p0 =	sgt.s32 s2, s3;
	s7 =	smov.u32 s2  }
0xe1: {  	(v2sf) =	vpush v6, $0xF;
	s0 =	spop (v2sf);
	s3 =	smov.u32 @p0 s7;
	p0 =	sgt.s32 s4, s5  }
0xe2: {  	(v2sf) =	vpush v3, $0x0;
	s1 =	spop (v2sf);
	s5 =	smov.u32 @p0 s4;
	s4 =	rddreg [dreg:$0x18]  }
0xe3: {  	s7 =	rddreg [dreg:$0x11];
	s2 =	spop (v2sf);
	p0 =	sgt.s32 s3, s4  }
0xe4: {  	s9 =	spop (v2sf);
	s4 =	smov.u32 @p0 s3;
	p0 =	sgt.s32 s5, s12  }
0xe5: {  	(v2sf) =	vpush v3, $0x1;
	s12 =	smov.u32 @p0 s5;
	p0 =	sgt.s32 s4, s20;
	s5 =	smov.u32 s4  }
0xe6: {  	(v2sf) =	vpush v3, $0x2;
	s23 =	spop (v2sf);
	s20 =	smov.u32 @p0 s5;
	p0 =	sgt.s32 s12, s14  }
0xe7: {  	(v2sf) =	vpush v3, $0x3;
	s3 =	spop (v2sf);
	s14 =	smov.u32 @p0 s12;
	p0 =	sgt.s32 s20, s7  }
0xe8: {  	(v2sf) =	vpush v3, $0x4;
	s4 =	spop (v2sf);
	s7 =	smov.u32 @p0 s20  }
0xe9: {  	s5 =	spop (v2sf);
	[dreg:$0x11] =	wrdreg s7  }
0xea: {  	(v2sf) =	vpush v3, $0x5;
	p0 =	sgt.s32 s14, s10;
	s21 =	spop (v2sf);
	s7 =	rddreg [dreg:$0x1c]  }
0xeb: {  	(v2sf) =	vpush v3, $0x6;
	s10 =	smov.u32 @p0 s14;
	s20 =	spop (v2sf);
	p0 =	sgt.s32 s7, s6  }
0xec: {  	(v2sf) =	vpush v3, $0x7;
	s25 =	spop (v2sf);
	s6 =	smov.u32 @p0 s7;
	p0 =	sgt.s32 s10, s22  }
0xed: {  	(v2sf) =	vpush v3, $0x8;
	s7 =	spop (v2sf);
	s22 =	smov.u32 @p0 s10;
	p0 =	sgt.s32 s6, s15  }
0xee: {  	(v2sf) =	vpush v3, $0x9;
	s14 =	spop (v2sf);
	s15 =	smov.u32 @p0 s6;
	p0 =	sgt.s32 s22, s29  }
0xef: {  	(v2sf) =	vpush v3, $0xA;
	s12 =	spop (v2sf);
	s29 =	smov.u32 @p0 s22;
	p0 =	sgt.s32 s15, s19  }
0xf0: {  	(v2sf) =	vpush v3, $0xB;
	s6 =	rddreg [dreg:$0x12];
	s10 =	spop (v2sf);
	s19 =	smov.u32 @p0 s15  }
0xf1: {  	(v2sf) =	vpush v3, $0xC;
	p0 =	sgt.s32 s29, s6;
	[dreg:$0x1b] =	wrdreg s10;
	s22 =	spop (v2sf)  }
0xf2: {  	(v2sf) =	vpush v3, $0xD;
	s6 =	smov.u32 @p0 s29;
	[dreg:$0x1d] =	wrdreg s22  }
0xf3: {  	(v2sf) =	vpush v3, $0xE;
	p0 =	sgt.s32 s19, s18;
	[dreg:$0x12] =	wrdreg s6  }
0xf4: {  	(v2sf) =	vpush v3, $0xF;
	s6 =	spop (v2sf);
	s18 =	smov.u32 @p0 s19;
	p0 =	sgt.s32 s28, s0  }
0xf5: {  	(v2sf) =	vpush v1, $0x0;
	s22 =	spop (v2sf);
	s0 =	smov.u32 @p0 s28;
	p0 =	sgt.s32 s18, s13  }
0xf6: {  	s19 =	spop (v2sf);
	s13 =	smov.u32 @p0 s18;
	p0 =	sgt.s32 s0, s1  }
0xf7: {  	(v2sf) =	vpush v1, $0x1;
	s15 =	spop (v2sf);
	s1 =	smov.u32 @p0 s0;
	p0 =	sgt.s32 s13, s11  }
0xf8: {  	(v2sf) =	vpush v1, $0x2;
	s0 =	rddreg [dreg:$0x15];
	s11 =	smov.u32 @p0 s13;
	p0 =	sgt.s32 s1, s2  }
0xf9: {  	s18 =	spop (v2sf);
	s2 =	smov.u32 @p0 s1;
	p0 =	sgt.s32 s11, s17  }
0xfa: {  	(v2sf) =	vpush v1, $0x3;
	s13 =	spop (v2sf);
	s17 =	smov.u32 @p0 s11;
	p0 =	sgt.s32 s2, s9  }
0xfb: {  	(v2sf) =	vpush v1, $0x4;
	s10 =	spop (v2sf);
	s9 =	smov.u32 @p0 s2;
	p0 =	sgt.s32 s17, s8  }
0xfc: {  	(v2sf) =	vpush v1, $0x5;
	s29 =	spop (v2sf);
	s8 =	smov.u32 @p0 s17;
	p0 =	sgt.s32 s9, s23  }
0xfd: {  	(v2sf) =	vpush v1, $0x6;
	s11 =	spop (v2sf);
	s23 =	smov.u32 @p0 s9;
	p0 =	sgt.s32 s8, s26  }
0xfe: {  	(v2sf) =	vpush v1, $0x7;
	s17 =	spop (v2sf);
	s26 =	smov.u32 @p0 s8;
	p0 =	sgt.s32 s23, s3  }
0xff: {  	(v2sf) =	vpush v1, $0x8;
	s28 =	spop (v2sf);
	s3 =	smov.u32 @p0 s23;
	p0 =	sgt.s32 s26, s16  }
0x100: {  	(v2sf) =	vpush v1, $0x9;
	s9 =	spop (v2sf);
	s16 =	smov.u32 @p0 s26;
	p0 =	sgt.s32 s3, s4  }
0x101: {  	(v2sf) =	vpush v1, $0xA;
	s23 =	spop (v2sf);
	s4 =	smov.u32 @p0 s3;
	p0 =	sgt.s32 s16, s31  }
0x102: {  	(v2sf) =	vpush v1, $0xB;
	s26 =	spop (v2sf);
	s31 =	smov.u32 @p0 s16;
	p0 =	sgt.s32 s4, s5  }
0x103: {  	vm9 =	veq.s32 v4, $0x0;
	v3 =	vor.u32 s24, v0;
	(v2sf) =	vpush v1, $0xC;
	s24 =	spop (v2sf);
	s5 =	smov.u32 @p0 s4;
	p0 =	sgt.s32 s31, s30  }
0x104: {  	v2 =	vsel vm8, v2, v5;
	v3 =	vnsel vm9, $0xFFFFFFFF, v3;
	(v2sf) =	vpush v1, $0xD;
	s8 =	spop (v2sf);
	s30 =	smov.u32 @p0 s31;
	p0 =	sgt.s32 s5, s21  }
0x105: {  	vm8 =	vgt.s32 v2, v3;
	(v2sf) =	vpush v1, $0xE;
	s4 =	rddreg [dreg:$0x14];
	s21 =	smov.u32 @p0 s5;
	p0 =	sgt.s32 s30, s0  }
0x106: {  	v2 =	vsel vm8, v2, v3;
	(v2sf) =	vpush v1, $0xF;
	s2 =	spop (v2sf);
	s0 =	smov.u32 @p0 s30;
	p0 =	sgt.s32 s21, s20  }
0x107: {  	(v2sf) =	vpush v2, $0x0;
	s1 =	spop (v2sf);
	s20 =	smov.u32 @p0 s21;
	p0 =	sgt.s32 s0, s4  }
0x108: {  	(v2sf) =	vpush v2, $0x1;
	s4 =	smov.u32 @p0 s0;
	p0 =	sgt.s32 s20, s25;
	s0 =	rddreg [dreg:$0x13]  }
0x109: {  	s31 =	spop (v2sf);
	s25 =	smov.u32 @p0 s20;
	p0 =	sgt.s32 s4, s0  }
0x10a: {  	[dreg:$0x17] =	wrdreg s9;
	(v2sf) =	vpush v2, $0x2;
	s30 =	spop (v2sf);
	s0 =	smov.u32 @p0 s4  }
0x10b: {  	s3 =	spop (v2sf);
	[dreg:$0x13] =	wrdreg s0  }
0x10c: {  	s21 =	spop (v2sf);
	p0 =	sgt.s32 s25, s7;
	s0 =	rddreg [dreg:$0x1d]  }
0x10d: {  	(v2sf) =	vpush v2, $0x3;
	s5 =	spop (v2sf);
	s7 =	smov.u32 @p0 s25;
	p0 =	sgt.s32 s0, s6  }
0x10e: {  	s9 =	spop (v2sf);
	s6 =	smov.u32 @p0 s0;
	p0 =	sgt.s32 s7, s14  }
0x10f: {  	(v2sf) =	vpush v2, $0x4;
	s20 =	spop (v2sf);
	s14 =	smov.u32 @p0 s7;
	p0 =	sgt.s32 s6, s22  }
0x110: {  	s16 =	spop (v2sf);
	s22 =	smov.u32 @p0 s6;
	p0 =	sgt.s32 s14, s12  }
0x111: {  	s4 =	spop (v2sf);
	s12 =	smov.u32 @p0 s14;
	p0 =	sgt.s32 s22, s19  }
0x112: {  	(v2sf) =	vpush v2, $0x5;
	s0 =	spop (v2sf);
	s19 =	smov.u32 @p0 s22;
	s22 =	rddreg [dreg:$0x1b]  }
0x113: {  	s14 =	spop (v2sf);
	p0 =	sgt.s32 s12, s22  }
0x114: {  	(v2sf) =	vpush v2, $0x6;
	s7 =	spop (v2sf);
	s22 =	smov.u32 @p0 s12;
	p0 =	sgt.s32 s19, s15  }
0x115: {  	s6 =	spop (v2sf);
	s15 =	smov.u32 @p0 s19;
	p0 =	sgt.s32 s8, s2  }
0x116: {  	(v2sf) =	vpush v2, $0x7;
	s12 =	spop (v2sf);
	s2 =	smov.u32 @p0 s8;
	p0 =	sgt.s32 s15, s18  }
0x117: {  	s8 =	spop (v2sf);
	s18 =	smov.u32 @p0 s15;
	p0 =	sgt.s32 s2, s1  }
0x118: {  	(v2sf) =	vpush v2, $0x8;
	s19 =	rddreg [dreg:$0x9];
	p1 =	sgt.s32 s12, s8;
	s1 =	smov.u32 @p0 s2  }
0x119: {  	s8 =	smov.u32 @p1 s12;
	p0 =	sgt.s32 s18, s13;
	s2 =	spop (v2sf)  }
0x11a: {  	p1 =	sgt.s32 s1, s31;
	s13 =	smov.u32 @p0 s18;
	p0 =	sgt.s32 s8, s2  }
0x11b: {  	(v2sf) =	vpush v2, $0x9;
	s31 =	smov.u32 @p1 s1;
	s2 =	smov.u32 @p0 s8;
	p0 =	sgt.s32 s13, s10  }
0x11c: {  	s1 =	spop (v2sf);
	s10 =	smov.u32 @p0 s13;
	p0 =	sgt.s32 s31, s30  }
0x11d: {  	(v2sf) =	vpush v2, $0xA;
	s15 =	rddreg [dreg:$0x4];
	p1 =	sgt.s32 s2, s1;
	s30 =	smov.u32 @p0 s31  }
0x11e: {  	s1 =	smov.u32 @p1 s2;
	p0 =	sgt.s32 s10, s29;
	s2 =	spop (v2sf)  }
0x11f: {  	(v2sf) =	vpush v2, $0xB;
	p1 =	sgt.s32 s30, s3;
	s29 =	smov.u32 @p0 s10;
	p0 =	sgt.s32 s1, s2  }
0x120: {  	s18 =	rddreg [dreg:$0x8];
	s3 =	smov.u32 @p1 s30;
	s2 =	smov.u32 @p0 s1  }
0x121: {  	s1 =	spop (v2sf);
	p0 =	sgt.s32 s29, s11;
	p1 =	sgt.s32 s3, s21  }
0x122: {  	(v2sf) =	vpush v2, $0xC;
	s11 =	smov.u32 @p0 s29;
	s21 =	smov.u32 @p1 s3;
	p1 =	sgt.s32 s2, s1  }
0x123: {  	s1 =	smov.u32 @p1 s2;
	p1 =	sgt.s32 s21, s5;
	s2 =	spop (v2sf)  }
0x124: {  	(v2sf) =	vpush v2, $0xD;
	s3 =	rddreg [dreg:$0x17];
	s5 =	smov.u32 @p1 s21;
	p0 =	sgt.s32 s1, s2  }
0x125: {  	s2 =	smov.u32 @p0 s1;
	s1 =	spop (v2sf);
	p0 =	sgt.s32 s5, s9  }
0x126: {  	s21 =	rddreg [dreg:$0xb];
	s9 =	smov.u32 @p0 s5;
	p1 =	sgt.s32 s2, s1  }
0x127: {  	p0 =	sgt.s32 s11, s17;
	s1 =	smov.u32 @p1 s2;
	s2 =	spop (v2sf)  }
0x128: {  	(v2sf) =	vpush v2, $0xE;
	p1 =	sgt.s32 s9, s20;
	s17 =	smov.u32 @p0 s11;
	p0 =	sgt.s32 s1, s2  }
0x129: {  	s20 =	smov.u32 @p1 s9;
	p1 =	sgt.s32 s17, s28;
	s2 =	smov.u32 @p0 s1  }
0x12a: {  	(v2sf) =	vpush v2, $0xF;
	s1 =	spop (v2sf);
	s28 =	smov.u32 @p1 s17;
	p0 =	sgt.s32 s20, s16  }
0x12b: {  	p1 =	sgt.s32 s2, s1;
	s16 =	smov.u32 @p0 s20;
	p0 =	sgt.s32 s28, s3  }
0x12c: {  	s1 =	smov.u32 @p1 s2;
	s2 =	spop (v2sf);
	p1 =	sgt.s32 s16, s4  }
0x12d: {  	s3 =	smov.u32 @p0 s28;
	s4 =	smov.u32 @p1 s16;
	p0 =	sgt.s32 s1, s2  }
0x12e: {  	s2 =	smov.u32 @p0 s1;
	s1 =	spop (v2sf);
	p0 =	sgt.s32 s3, s23  }
0x12f: {  	s23 =	smov.u32 @p0 s3;
	p0 =	sgt.s32 s4, s0;
	p1 =	sgt.s32 s2, s1  }
0x130: {  	s17 =	rddreg [dreg:$0x7];
	s0 =	smov.u32 @p0 s4;
	s1 =	smov.u32 @p1 s2  }
0x131: {  	s2 =	spop (v2sf);
	p0 =	sgt.s32 s23, s26;
	p1 =	sgt.s32 s0, s14  }
0x132: {  	s26 =	smov.u32 @p0 s23;
	p0 =	sgt.s32 s1, s2;
	s14 =	smov.u32 @p1 s0  }
0x133: {  	s2 =	smov.u32 @p0 s1;
	s0 =	spop (v2sf);
	p0 =	sgt.s32 s26, s24  }
0x134: {  	s16 =	rddreg [dreg:$0x6];
	s24 =	smov.u32 @p0 s26;
	p1 =	sgt.s32 s2, s0  }
0x135: {  	p0 =	sgt.s32 s14, s7;
	s0 =	smov.u32 @p1 s2;
	s2 =	rddreg [dreg:$0x10]  }
0x136: {  	s3 =	rddreg [dreg:$0x11];
	s7 =	smov.u32 @p0 s14;
	p0 =	sgt.s32 s2, $0x0  }
0x137: {  	s1 =	spop (v2sf);
	p1 =	sgt.s32 s7, s6;
	s2 =	simm.s32 @!p0 $0x0  }
0x138: {  	s6 =	smov.u32 @p1 s7;
	p0 =	sgt.s32 s0, s1;
	s14 =	smov.u32 s2  }
0x139: {  	s1 =	smov.u32 @p0 s0;
	s0 =	spop (v2sf);
	s2 =	sadd.s32 s15, s14  }
0x13a: {  	p0 =	sgt.s32 s3, $0x0;
	p1 =	sgt.s32 s1, s0;
	v1 =	vmov s2;
	s2 =	rddreg [dreg:$0x12]  }
0x13b: {  	s3 =	simm.s32 @!p0 $0x0;
	s0 =	smov.u32 @p1 s1;
	p0 =	sgt.s32 s2, $0x0  }
0x13c: {  	s1 =	sadd.s32 s3, s16;
	s3 =	rddreg [dreg:$0x13];
	v1 =	vnsel vm0, $0x0, v1;
	s2 =	simm.s32 @!p0 $0x0  }
0x13d: {  	s20 =	rddreg [dreg:$0xa];
	p0 =	sgt.s32 s3, $0x0;
	v1 =	vsel vm1, s1, v1;
	s1 =	sadd.s32 s2, s17  }
0x13e: {  	s3 =	simm.s32 @!p0 $0x0;
	s2 =	smov.u32 s22;
	p0 =	sgt.s32 s22, $0x0  }
0x13f: {  	v1 =	vsel vm2, s1, v1;
	s1 =	sadd.s32 s3, s18;
	s2 =	simm.s32 @!p0 $0x0;
	p0 =	sgt.s32 s24, $0x0  }
0x140: {  	v1 =	vsel vm3, s1, v1;
	s1 =	sadd.s32 s2, s19;
	s24 =	simm.s32 @!p0 $0x0;
	p0 =	sgt.s32 s6, $0x0  }
0x141: {  	v1 =	vsel vm4, s1, v1;
	s1 =	sadd.s32 s24, s20;
	s6 =	simm.s32 @!p0 $0x0;
	p0 =	sgt.s32 s0, $0x0  }
0x142: {  	s22 =	rddreg [dreg:$0xc];
	v1 =	vsel vm5, s1, v1;
	s1 =	sadd.s32 s6, s21;
	s0 =	simm.s32 @!p0 $0x0  }
0x143: {  	v1 =	vsel vm6, s1, v1;
	s0 =	sadd.s32 s0, s22  }
0x144: {  	[tilespmem:$0x4380] =	vst v2;
	s25 =	simm.s32 $0x4400;
	s28 =	simm.s32 $0x1;
	v1 =	vsel vm7, s0, v1  }
0x145: {  	s23 =	rddreg [dreg:$0x1];
	s26 =	simm.s32 $0x4480;
	s24 =	simm.s32 $0x10;
	[tilespmem:$0x4400] =	vst v1  }
0x146: {  	[tilespmem:s26], [sflag:$0x1] =	stream.indirect.gather [hbm4b:s23+s24], $0x80, s25, s24, $0xb8;
	[tilespmem:$0x4C80] =	vst v63  }
0x147: {  	_ =	swait.ge [sflag:s28], $0x800  }
0x148: {  	s2 =	simm.s32 $0x2;
	[sflag:s28] =	ssyncset.done $0x0  }
0x149: {  	s6 =	simm.s32 $0x0;
	s29 =	rddreg [dreg:$0xd];
	[sflag:s28] =	ssyncadd.s32 $0xFFFFF800  }
0x14a: {  	[hbm4b:s29+s6] =	stream.linear.scatter [tilespmem:s26], [sflag:$0x2], $0x400, $0x38;
	[tilespmem:$0x4C80] =	vst v63  }
0x14b: {  	_ =	swait.ge [sflag:s2], $0x400  }
0x14c: {  	s30 =	rddreg [dreg:$0xf]  }
0x14d: {  	s31 =	rddreg [dreg:$0xe];
	s1 =	sadd.s32 $0x1, s30  }
0x14e: {  	p0 =	sne.s32 s1, s31  }
.Ltmp8:
0x14f: {  	_ = 	snop;
	(pc) =	sbr.rel @p0 .LBB2_1-.Ltmp8, $3  }
0x150: {  	_ =	sdelay $0x1  }
0x151: {  	[sflag:s2] =	ssyncset.done $0x0  }
0x152: {  	[sflag:s2] =	ssyncadd.s32 $0xFFFFFC00  }
0x153: {  	_ =	sfence.sel $0x180000  }
0x154: {  	[bflag:$0x0] =	sbarrier.arrive $0xFFFF  }
0x155: {  	_ =	strace $0x90000047  }
0x156: {  	s0 =	stileid.u32;
	[bflag:$0x2] =	sbarrier.arrive $0xFFFF  }
0x157: {  	p0 =	sne.s32 s0, $0x0;
	s0 =	rddreg [dreg:$0x3]  }
0x158: {  	s0 =	sadd.s32 @!p0 $0x100000, s0  }
0x159: {  	[sflag:s0] =	ssyncadd.tile.s32 @!p0 $0x1;
	_ =	shalt  }
.Lfunc_end2:
_tile_overlayer_lowered:
.L_overlay_start_2:
0x15a: {  	(tag) =	ssettag $0x2  }
0x15b: {  	s0 =	rddreg [dreg:$0x0];
	s2 =	stileid.u32  }
0x15c: {  	s1 =	rddreg [dreg:$0x1];
	p0 =	sne.s32 s2, $0x0  }
0x15d: {  	s3 =	rddreg [dreg:$0x2];
	[bflag:$0x3] =	sbarrier.arrive $0xFFFF;
	s2 =	simm.s32 @!p0 $0x1C02  }
0x15e: {  	[timem:s3], [sflag:s2] =	dma.local @!p0 [hbm:s0], s1  }
0x15f: {  	s0 =	simm.s32 @!p0 $0x2  }
0x160: {  	_ =	swait.ge @!p0 [sflag:s0], s1  }
0x161: {  	s1 =	ssub.s32 @!p0 $0x0, s1;
	[sflag:s0] =	ssyncset.done @!p0 $0x0  }
0x162: {  	[sflag:s0] =	ssyncadd.s32 @!p0 s1  }
0x163: {  	[bflag:$0x3] =	sbarrier.arrive $0xFFFF  }
0x164: {  	_ =	shalt  }

</sc_bundles>
